<compile_context>
chip_gen: v7x
topology: tpu7x:2x2x1
jax: 0.10.2.dev20260603
libtpu: 0.0.44.dev20260713+nightly
codegen_flags: <defaults>
</compile_context>

<pallas_src>
import functools

import jax
import jax.numpy as jnp
from jax import lax
from jax.experimental import pallas as pl
from jax.experimental.pallas import tpu as pltpu
from jax.experimental.pallas import tpu_sc as plsc

N_ATOMS = 10000
N_BONDS = 320000
N_MOLS = 64
D = 128

NC = 2
NS = 16
NW = NC * NS
NSEG = 1
SEG = N_BONDS // NSEG
PER_W = SEG // NW
CHUNK = 200
N_CHUNKS = PER_W // CHUNK


_LOG2E = 1.4426950408889634
_LN2 = 0.6931471805599453


def _softplus(x):
    t = jnp.exp2(jnp.abs(x) * (-_LOG2E))
    return jnp.maximum(x, 0.0) + jnp.log2(1.0 + t) * _LN2


def _project_body(atom_ref, w1b_ref, w1c_ref, pa0_ref, pa1_ref):
    a = atom_ref[...]
    pa0_ref[...] = jnp.dot(a, w1b_ref[...], preferred_element_type=jnp.float32)
    pa1_ref[...] = jnp.dot(a, w1c_ref[...], preferred_element_type=jnp.float32)


def _project(atom_feats, w1b, w1c):
    blk = 2000
    grid = N_ATOMS // blk
    return pl.pallas_call(
        _project_body,
        grid=(grid,),
        in_specs=[
            pl.BlockSpec((blk, D), lambda i: (i, 0)),
            pl.BlockSpec((D, D), lambda i: (0, 0)),
            pl.BlockSpec((D, D), lambda i: (0, 0)),
        ],
        out_specs=[
            pl.BlockSpec((blk, D), lambda i: (i, 0)),
            pl.BlockSpec((blk, D), lambda i: (i, 0)),
        ],
        out_shape=[
            jax.ShapeDtypeStruct((N_ATOMS, D), jnp.float32),
            jax.ShapeDtypeStruct((N_ATOMS, D), jnp.float32),
        ],
    )(atom_feats, w1b, w1c)


def _make_gather_body(seg_base):
  def _gather_body(pa0_hbm, pa1_hbm, i0_hbm, i1_hbm, s0_hbm,
                   idx0_v, idx1_v,
                   rows0_a, rows0_b, rows1_a, rows1_b,
                   sem0_a, sem0_b, sem1_a, sem1_b,
                   wsem0_a, wsem0_b):
    wid = lax.axis_index("s") * NC + lax.axis_index("c")
    base = wid * PER_W
    rbase = seg_base + base
    rows0 = (rows0_a, rows0_b)
    rows1 = (rows1_a, rows1_b)
    sem0 = (sem0_a, sem0_b)
    sem1 = (sem1_a, sem1_b)
    wsem0 = (wsem0_a, wsem0_b)

    pltpu.sync_copy(i0_hbm.at[pl.ds(rbase, PER_W)], idx0_v)
    pltpu.sync_copy(i1_hbm.at[pl.ds(rbase, PER_W)], idx1_v)

    def fire(buf, chunk):
        @pl.when(chunk >= 2)
        def _():
            pltpu.make_async_copy(
                rows0[buf], s0_hbm.at[pl.ds(base, CHUNK)], wsem0[buf]).wait()
        o = chunk * CHUNK
        pltpu.async_copy(pa0_hbm.at[idx0_v.at[pl.ds(o, CHUNK)]], rows0[buf],
                         sem0[buf])
        pltpu.async_copy(pa1_hbm.at[idx1_v.at[pl.ds(o, CHUNK)]], rows1[buf],
                         sem1[buf])

    def drain(buf, chunk):
        off = base + chunk * CHUNK
        pltpu.make_async_copy(pa0_hbm.at[idx0_v.at[pl.ds(0, CHUNK)]],
                              rows0[buf], sem0[buf]).wait()
        pltpu.make_async_copy(pa1_hbm.at[idx1_v.at[pl.ds(0, CHUNK)]],
                              rows1[buf], sem1[buf]).wait()

        @pl.loop(0, CHUNK)
        def _row(r):
            for j in range(D // 16):
                sl = pl.ds(j * 16, 16)
                rows0[buf][r, sl] = rows0[buf][r, sl] + rows1[buf][r, sl]

        pltpu.async_copy(rows0[buf], s0_hbm.at[pl.ds(off, CHUNK)], wsem0[buf])

    fire(0, 0)

    @pl.loop(0, N_CHUNKS, step=2)
    def _outer(c):
        for b in range(2):
            cur = c + b
            nxt = cur + 1

            @pl.when(nxt < N_CHUNKS)
            def _():
                fire(1 - b, nxt)

            drain(b, cur)

    for b in range(2):
        pltpu.make_async_copy(
            rows0[b], s0_hbm.at[pl.ds(base, CHUNK)], wsem0[b]).wait()

  return _gather_body


def _gather(pa0, pa1, i0, i1, seg_base):
    mesh = plsc.VectorSubcoreMesh(
        core_axis_name="c", subcore_axis_name="s", num_cores=NC, num_subcores=NS)
    kfn = functools.partial(
        pl.kernel,
        out_type=jax.ShapeDtypeStruct((SEG, D), jnp.float32),
        mesh=mesh,
        scratch_types=[
            pltpu.VMEM((PER_W,), jnp.int32),
            pltpu.VMEM((PER_W,), jnp.int32),
            pltpu.VMEM((CHUNK, D), jnp.float32),
            pltpu.VMEM((CHUNK, D), jnp.float32),
            pltpu.VMEM((CHUNK, D), jnp.float32),
            pltpu.VMEM((CHUNK, D), jnp.float32),
            pltpu.SemaphoreType.DMA,
            pltpu.SemaphoreType.DMA,
            pltpu.SemaphoreType.DMA,
            pltpu.SemaphoreType.DMA,
            pltpu.SemaphoreType.DMA,
            pltpu.SemaphoreType.DMA,
        ],
    )(_make_gather_body(seg_base))
    return kfn(pa0, pa1, i0, i1)


def _mlp_body(mol_ref, master_ref, s_ref, gf_ref, w1a_ref, w1d_ref,
              w2_ref, w3_ref, b1_ref, b2_ref, b3_ref, out_ref):
    g = (jnp.dot(gf_ref[...], w1d_ref[...], preferred_element_type=jnp.float32)
         + b1_ref[...])
    oh = (mol_ref[...] == lax.broadcasted_iota(jnp.int32, (1, N_MOLS), 1)
          ).astype(jnp.float32)
    x = jnp.dot(master_ref[...], w1a_ref[...], preferred_element_type=jnp.float32)
    x = x + s_ref[...]
    x = x + jnp.dot(oh, g, preferred_element_type=jnp.float32)
    h = _softplus(x)
    h = _softplus(jnp.dot(h, w2_ref[...], preferred_element_type=jnp.float32)
                  + b2_ref[...])
    out_ref[...] = (jnp.dot(h, w3_ref[...], preferred_element_type=jnp.float32)
                    + b3_ref[...])


def _mlp(mol2d, master, s, global_feats, w1a, w1d, w2, w3, b1, b2, b3,
         seg_base):
    blk = 4000
    grid = SEG // blk
    boff = seg_base // blk
    full = lambda r, c: pl.BlockSpec((r, c), lambda i: (0, 0))
    return pl.pallas_call(
        _mlp_body,
        grid=(grid,),
        in_specs=[
            pl.BlockSpec((blk, 1), lambda i: (i + boff, 0)),
            pl.BlockSpec((blk, D), lambda i: (i + boff, 0)),
            pl.BlockSpec((blk, D), lambda i: (i, 0)),
            full(N_MOLS, D),
            full(D, D),
            full(D, D),
            full(D, D),
            full(D, D),
            full(1, D),
            full(1, D),
            full(1, D),
        ],
        out_specs=pl.BlockSpec((blk, D), lambda i: (i, 0)),
        out_shape=jax.ShapeDtypeStruct((SEG, D), jnp.float32),
    )(mol2d, master, s, global_feats, w1a, w1d, w2, w3, b1, b2, b3)


def kernel(master_feats, atom_feats, global_feats, bond_atom_idx, bond_mol_idx,
           W1, b1, W2, b2, W3, b3):
    w1a = W1[0:D]
    w1b = W1[D:2 * D]
    w1c = W1[2 * D:3 * D]
    w1d = W1[3 * D:4 * D]
    i0 = bond_atom_idx[:, 0].astype(jnp.int32)
    i1 = bond_atom_idx[:, 1].astype(jnp.int32)
    mol2d = bond_mol_idx.astype(jnp.int32).reshape(N_BONDS, 1)

    pa0, pa1 = _project(atom_feats, w1b, w1c)
    outs = []
    for t in range(NSEG):
        s = _gather(pa0, pa1, i0, i1, t * SEG)
        outs.append(
            _mlp(mol2d, master_feats, s, global_feats, w1a, w1d,
                 W2, W3, b1.reshape(1, D), b2.reshape(1, D),
                 b3.reshape(1, D), t * SEG))
    return outs[0] if NSEG == 1 else jnp.concatenate(outs, axis=0)

# --- scband reference (transcript-rebuilt; emitter-appended) ---
"""Pipeline reference for scband-bond-update-layer-75788992906318 (READ-ONLY COPY).

The authoritative reference and input builder live on the scoring server;
editing this copy changes nothing except your own understanding.
"""

import jax, jax.numpy as jnp
import numpy as np

N_ATOMS = 10000
N_BONDS = 320000
N_MOLS = 64
D = 128
IN_SIZE = D + 2 * D + D  # bond + 2*atom + global = 512


def setup_inputs(seed: int = 0) -> dict:
    key = jax.random.key(seed)
    ks = jax.random.split(key, 12)
    master_feats = jax.random.normal(ks[0], (N_BONDS, D), dtype=jnp.float32)
    atom_feats = jax.random.normal(ks[1], (N_ATOMS, D), dtype=jnp.float32)
    global_feats = jax.random.normal(ks[2], (N_MOLS, D), dtype=jnp.float32)
    bond_atom_idx = jax.random.randint(ks[3], (N_BONDS, 2), 0, N_ATOMS, dtype=jnp.int64 if jax.config.read('jax_enable_x64') else jnp.int32)
    bond_mol_idx = jax.random.randint(ks[4], (N_BONDS,), 0, N_MOLS, dtype=jnp.int64 if jax.config.read('jax_enable_x64') else jnp.int32)
    # LinearN params: 3 layers, sizes IN_SIZE->128->128->128, softplus on first two
    W1 = jax.random.normal(ks[5], (IN_SIZE, 128), dtype=jnp.float32) * (1.0 / np.sqrt(IN_SIZE))
    b1 = jnp.zeros((128,), dtype=jnp.float32)
    W2 = jax.random.normal(ks[6], (128, 128), dtype=jnp.float32) * (1.0 / np.sqrt(128))
    b2 = jnp.zeros((128,), dtype=jnp.float32)
    W3 = jax.random.normal(ks[7], (128, 128), dtype=jnp.float32) * (1.0 / np.sqrt(128))
    b3 = jnp.zeros((128,), dtype=jnp.float32)
    return {
        'master_feats': master_feats,
        'atom_feats': atom_feats,
        'global_feats': global_feats,
        'bond_atom_idx': bond_atom_idx,
        'bond_mol_idx': bond_mol_idx,
        'W1': W1, 'b1': b1, 'W2': W2, 'b2': b2, 'W3': W3, 'b3': b3,
    }


def reference(master_feats, atom_feats, global_feats, bond_atom_idx, bond_mol_idx, W1, b1, W2, b2, W3, b3):
    # etype (atom, a2b, bond): copy_u atom 'ft' -> mailbox; each bond has exactly 2
    # incident atoms; reduce_fn flattens mailbox; apply_node_fn concatenates onto bond 'ft'.
    atom_msgs = jnp.take(atom_feats, bond_atom_idx, axis=0)  # [N_BONDS, 2, D] gather
    atom_msgs = atom_msgs.reshape(atom_msgs.shape[0], -1)    # flatten start_dim=1 -> [N_BONDS, 2D]
    ft = jnp.concatenate([master_feats, atom_msgs], axis=1)
    # etype (global, g2b, bond): each bond receives its molecule's single global feature
    g_msgs = jnp.take(global_feats, bond_mol_idx, axis=0)    # [N_BONDS, D] gather
    ft = jnp.concatenate([ft, g_msgs], axis=1)               # [N_BONDS, 512]
    # LinearN: Linear -> Softplus -> Linear -> Softplus -> Linear -> Identity
    h = jax.nn.softplus(ft @ W1 + b1)
    h = jax.nn.softplus(h @ W2 + b2)
    out = h @ W3 + b3
    return out

if __name__ == "__main__":
    import jax
    _d = setup_inputs()
    print(jax.jit(kernel)(*tuple(_d.values())))

</pallas_src>

<mosaic_0001>
#map = affine_map<(d0, d1) -> (0, 0)>
#map1 = affine_map<(d0, d1) -> (0)>
module attributes {stable_mosaic.version = 14 : i64} {
  func.func @_gather_body(%arg0: i32, %arg1: i32, %arg2: memref<10000x128xf32, #tpu.memory_space<hbm>>, %arg3: memref<10000x128xf32, #tpu.memory_space<hbm>>, %arg4: memref<320000xi32, #tpu.memory_space<hbm>>, %arg5: memref<320000xi32, #tpu.memory_space<hbm>>, %arg6: memref<320000x128xf32, #tpu.memory_space<hbm>>, %arg7: memref<10000xi32, #tpu.memory_space<vmem>>, %arg8: memref<10000xi32, #tpu.memory_space<vmem>>, %arg9: memref<200x128xf32, #tpu.memory_space<vmem>>, %arg10: memref<200x128xf32, #tpu.memory_space<vmem>>, %arg11: memref<200x128xf32, #tpu.memory_space<vmem>>, %arg12: memref<200x128xf32, #tpu.memory_space<vmem>>, %arg13: memref<!tpu.dma_semaphore, #tpu.memory_space<semaphore_mem>>, %arg14: memref<!tpu.dma_semaphore, #tpu.memory_space<semaphore_mem>>, %arg15: memref<!tpu.dma_semaphore, #tpu.memory_space<semaphore_mem>>, %arg16: memref<!tpu.dma_semaphore, #tpu.memory_space<semaphore_mem>>, %arg17: memref<!tpu.dma_semaphore, #tpu.memory_space<semaphore_mem>>, %arg18: memref<!tpu.dma_semaphore, #tpu.memory_space<semaphore_mem>>) attributes {dimension_semantics = [#tpu.dimension_semantics<core_parallel>, #tpu.dimension_semantics<subcore_parallel>], iteration_bounds = array<i64: 2, 16>, scalar_prefetch = 0 : i64, scratch_operands = 12 : i64, tpu.core_type = #tpu.core_type<sc_vector_subcore>, window_params = [{transform_indices = #map}, {transform_indices = #map}, {transform_indices = #map1}, {transform_indices = #map1}, {transform_indices = #map}]} {
    %mul3A = arith.constant 2 : i32
    %mul3A_0 = arith.muli %arg1, %mul3A : i32
    %add3A = arith.addi %mul3A_0, %arg0 : i32
    %mul3A_1 = arith.constant 10000 : i32
    %mul3A_2 = arith.muli %add3A, %mul3A_1 : i32
    %add3A_3 = arith.constant 0 : i32
    %add3A_4 = arith.addi %add3A_3, %mul3A_2 : i32
    "tpu.region"() ({
      %run_scoped3A = tpu.sem_alloc : memref<!tpu.dma_semaphore, #tpu.memory_space<semaphore_mem>>
      %dma_start3A_25 = tpu.memref_slice %arg4[%add3A_4] : memref<320000xi32, #tpu.memory_space<hbm>> -> memref<10000xi32, #tpu.memory_space<hbm>>
      %dma_start3A_26 = tpu.memref_slice %arg4[%add3A_4] : memref<320000xi32, #tpu.memory_space<hbm>> -> memref<10000xi32, #tpu.memory_space<hbm>>
      tpu.enqueue_dma source(%dma_start3A_26 : memref<10000xi32, #tpu.memory_space<hbm>>) target(%arg7 : memref<10000xi32, #tpu.memory_space<vmem>>) target_semaphore(%run_scoped3A : memref<!tpu.dma_semaphore, #tpu.memory_space<semaphore_mem>>)
      %dma_wait3A_27 = tpu.memref_slice %arg4[%add3A_4] : memref<320000xi32, #tpu.memory_space<hbm>> -> memref<10000xi32, #tpu.memory_space<hbm>>
      %dma_wait3A_28 = tpu.memref_slice %arg4[%add3A_4] : memref<320000xi32, #tpu.memory_space<hbm>> -> memref<10000xi32, #tpu.memory_space<hbm>>
      tpu.wait_dma2 semaphore(%run_scoped3A : memref<!tpu.dma_semaphore, #tpu.memory_space<semaphore_mem>>) src(%dma_wait3A_28 : memref<10000xi32, #tpu.memory_space<hbm>>) dst(%arg7 : memref<10000xi32, #tpu.memory_space<vmem>>)
      tpu.yield
    }) : () -> ()
    "tpu.region"() ({
      %run_scoped3A = tpu.sem_alloc : memref<!tpu.dma_semaphore, #tpu.memory_space<semaphore_mem>>
      %dma_start3A_25 = tpu.memref_slice %arg5[%add3A_4] : memref<320000xi32, #tpu.memory_space<hbm>> -> memref<10000xi32, #tpu.memory_space<hbm>>
      %dma_start3A_26 = tpu.memref_slice %arg5[%add3A_4] : memref<320000xi32, #tpu.memory_space<hbm>> -> memref<10000xi32, #tpu.memory_space<hbm>>
      tpu.enqueue_dma source(%dma_start3A_26 : memref<10000xi32, #tpu.memory_space<hbm>>) target(%arg8 : memref<10000xi32, #tpu.memory_space<vmem>>) target_semaphore(%run_scoped3A : memref<!tpu.dma_semaphore, #tpu.memory_space<semaphore_mem>>)
      %dma_wait3A_27 = tpu.memref_slice %arg5[%add3A_4] : memref<320000xi32, #tpu.memory_space<hbm>> -> memref<10000xi32, #tpu.memory_space<hbm>>
      %dma_wait3A_28 = tpu.memref_slice %arg5[%add3A_4] : memref<320000xi32, #tpu.memory_space<hbm>> -> memref<10000xi32, #tpu.memory_space<hbm>>
      tpu.wait_dma2 semaphore(%run_scoped3A : memref<!tpu.dma_semaphore, #tpu.memory_space<semaphore_mem>>) src(%dma_wait3A_28 : memref<10000xi32, #tpu.memory_space<hbm>>) dst(%arg8 : memref<10000xi32, #tpu.memory_space<vmem>>)
      tpu.yield
    }) : () -> ()
    %dma_start3A = arith.constant 0 : i32
    %dma_start3A_5 = tpu.memref_slice %arg7[%dma_start3A] : memref<10000xi32, #tpu.memory_space<vmem>> -> memref<200xi32, #tpu.memory_space<vmem>>
    %dma_start3A_6 = arith.constant 0 : i32
    %dma_start3A_7 = arith.constant 0 : i32
    %dma_start3A_8 = tpu.memref_slice %arg2[%dma_start3A_6, %dma_start3A_7] : memref<10000x128xf32, #tpu.memory_space<hbm>> -> memref<10000x128xf32, #tpu.memory_space<hbm>>
    tpu.enqueue_indirect_dma source(%dma_start3A_8 : memref<10000x128xf32, #tpu.memory_space<hbm>>) target(%arg9 : memref<200x128xf32, #tpu.memory_space<vmem>>) offsets(%dma_start3A_5 : memref<200xi32, #tpu.memory_space<vmem>>) semaphore(%arg13 : memref<!tpu.dma_semaphore, #tpu.memory_space<semaphore_mem>>)
    %dma_start3A_9 = arith.constant 0 : i32
    %dma_start3A_10 = tpu.memref_slice %arg8[%dma_start3A_9] : memref<10000xi32, #tpu.memory_space<vmem>> -> memref<200xi32, #tpu.memory_space<vmem>>
    %dma_start3A_11 = arith.constant 0 : i32
    %dma_start3A_12 = arith.constant 0 : i32
    %dma_start3A_13 = tpu.memref_slice %arg3[%dma_start3A_11, %dma_start3A_12] : memref<10000x128xf32, #tpu.memory_space<hbm>> -> memref<10000x128xf32, #tpu.memory_space<hbm>>
    tpu.enqueue_indirect_dma source(%dma_start3A_13 : memref<10000x128xf32, #tpu.memory_space<hbm>>) target(%arg11 : memref<200x128xf32, #tpu.memory_space<vmem>>) offsets(%dma_start3A_10 : memref<200xi32, #tpu.memory_space<vmem>>) semaphore(%arg15 : memref<!tpu.dma_semaphore, #tpu.memory_space<semaphore_mem>>)
    %scan3A = arith.constant 0 : i32
    %scan3A_14 = arith.constant 25 : i32
    %scan3A_15 = arith.addi %scan3A, %scan3A_14 : i32
    %scan3A_16 = arith.constant 1 : i32
    scf.for %scan3A_25 = %scan3A to %scan3A_15 step %scan3A_16  : i32 {
      %mul3A_26 = arith.constant 2 : i32
      %mul3A_27 = arith.muli %scan3A_25, %mul3A_26 : i32
      %add3A_28 = arith.constant 0 : i32
      %add3A_29 = arith.addi %add3A_28, %mul3A_27 : i32
      %add3A_30 = arith.constant 0 : i32
      %add3A_31 = arith.addi %add3A_29, %add3A_30 : i32
      %add3A_32 = arith.constant 1 : i32
      %add3A_33 = arith.addi %add3A_31, %add3A_32 : i32
      %lt3A = arith.constant 50 : i32
      %lt3A_34 = arith.cmpi slt, %add3A_33, %lt3A : i32
      %convert_element_type3A = arith.extui %lt3A_34 : i1 to i32
      %cond3A = arith.constant 0 : i32
      %cond3A_35 = arith.cmpi ne, %convert_element_type3A, %cond3A : i32
      scf.if %cond3A_35 {
        %ge3A = arith.constant 2 : i32
        %ge3A_89 = arith.cmpi sge, %add3A_33, %ge3A : i32
        %convert_element_type3A_90 = arith.extui %ge3A_89 : i1 to i32
        %cond3A_91 = arith.constant 0 : i32
        %cond3A_92 = arith.cmpi ne, %convert_element_type3A_90, %cond3A_91 : i32
        scf.if %cond3A_92 {
          %dma_wait3A_103 = arith.constant 0 : i32
          %dma_wait3A_104 = tpu.memref_slice %arg6[%mul3A_2, %dma_wait3A_103] : memref<320000x128xf32, #tpu.memory_space<hbm>> -> memref<200x128xf32, #tpu.memory_space<hbm>>
          %dma_wait3A_105 = arith.constant 0 : i32
          %dma_wait3A_106 = tpu.memref_slice %arg6[%mul3A_2, %dma_wait3A_105] : memref<320000x128xf32, #tpu.memory_space<hbm>> -> memref<200x128xf32, #tpu.memory_space<hbm>>
          tpu.wait_dma2 semaphore(%arg18 : memref<!tpu.dma_semaphore, #tpu.memory_space<semaphore_mem>>) src(%arg10 : memref<200x128xf32, #tpu.memory_space<vmem>>) dst(%dma_wait3A_106 : memref<200x128xf32, #tpu.memory_space<hbm>>)
        } else {
        }
        %mul3A_93 = arith.constant 200 : i32
        %mul3A_94 = arith.muli %add3A_33, %mul3A_93 : i32
        %dma_start3A_95 = tpu.memref_slice %arg7[%mul3A_94] : memref<10000xi32, #tpu.memory_space<vmem>> -> memref<200xi32, #tpu.memory_space<vmem>>
        %dma_start3A_96 = arith.constant 0 : i32
        %dma_start3A_97 = arith.constant 0 : i32
        %dma_start3A_98 = tpu.memref_slice %arg2[%dma_start3A_96, %dma_start3A_97] : memref<10000x128xf32, #tpu.memory_space<hbm>> -> memref<10000x128xf32, #tpu.memory_space<hbm>>
        tpu.enqueue_indirect_dma source(%dma_start3A_98 : memref<10000x128xf32, #tpu.memory_space<hbm>>) target(%arg10 : memref<200x128xf32, #tpu.memory_space<vmem>>) offsets(%dma_start3A_95 : memref<200xi32, #tpu.memory_space<vmem>>) semaphore(%arg14 : memref<!tpu.dma_semaphore, #tpu.memory_space<semaphore_mem>>)
        %dma_start3A_99 = tpu.memref_slice %arg8[%mul3A_94] : memref<10000xi32, #tpu.memory_space<vmem>> -> memref<200xi32, #tpu.memory_space<vmem>>
        %dma_start3A_100 = arith.constant 0 : i32
        %dma_start3A_101 = arith.constant 0 : i32
        %dma_start3A_102 = tpu.memref_slice %arg3[%dma_start3A_100, %dma_start3A_101] : memref<10000x128xf32, #tpu.memory_space<hbm>> -> memref<10000x128xf32, #tpu.memory_space<hbm>>
        tpu.enqueue_indirect_dma source(%dma_start3A_102 : memref<10000x128xf32, #tpu.memory_space<hbm>>) target(%arg12 : memref<200x128xf32, #tpu.memory_space<vmem>>) offsets(%dma_start3A_99 : memref<200xi32, #tpu.memory_space<vmem>>) semaphore(%arg16 : memref<!tpu.dma_semaphore, #tpu.memory_space<semaphore_mem>>)
      } else {
      }
      %mul3A_36 = arith.constant 200 : i32
      %mul3A_37 = arith.muli %add3A_31, %mul3A_36 : i32
      %add3A_38 = arith.addi %mul3A_2, %mul3A_37 : i32
      %dma_wait3A_39 = arith.constant 0 : i32
      %dma_wait3A_40 = tpu.memref_slice %arg7[%dma_wait3A_39] : memref<10000xi32, #tpu.memory_space<vmem>> -> memref<200xi32, #tpu.memory_space<vmem>>
      %dma_wait3A_41 = arith.constant 0 : i32
      %dma_wait3A_42 = arith.constant 0 : i32
      %dma_wait3A_43 = tpu.memref_slice %arg2[%dma_wait3A_41, %dma_wait3A_42] : memref<10000x128xf32, #tpu.memory_space<hbm>> -> memref<10000x128xf32, #tpu.memory_space<hbm>>
      tpu.wait_indirect_dma semaphore(%arg13 : memref<!tpu.dma_semaphore, #tpu.memory_space<semaphore_mem>>) src(%dma_wait3A_43 : memref<10000x128xf32, #tpu.memory_space<hbm>>) dst(%arg9 : memref<200x128xf32, #tpu.memory_space<vmem>>)
      %dma_wait3A_44 = arith.constant 0 : i32
      %dma_wait3A_45 = tpu.memref_slice %arg8[%dma_wait3A_44] : memref<10000xi32, #tpu.memory_space<vmem>> -> memref<200xi32, #tpu.memory_space<vmem>>
      %dma_wait3A_46 = arith.constant 0 : i32
      %dma_wait3A_47 = arith.constant 0 : i32
      %dma_wait3A_48 = tpu.memref_slice %arg3[%dma_wait3A_46, %dma_wait3A_47] : memref<10000x128xf32, #tpu.memory_space<hbm>> -> memref<10000x128xf32, #tpu.memory_space<hbm>>
      tpu.wait_indirect_dma semaphore(%arg15 : memref<!tpu.dma_semaphore, #tpu.memory_space<semaphore_mem>>) src(%dma_wait3A_48 : memref<10000x128xf32, #tpu.memory_space<hbm>>) dst(%arg11 : memref<200x128xf32, #tpu.memory_space<vmem>>)
      %scan3A_49 = arith.constant 0 : i32
      %scan3A_50 = arith.constant 200 : i32
      %scan3A_51 = arith.addi %scan3A_49, %scan3A_50 : i32
      %scan3A_52 = arith.constant 1 : i32
      scf.for %scan3A_89 = %scan3A_49 to %scan3A_51 step %scan3A_52  : i32 {
        %mul3A_90 = arith.constant 1 : i32
        %mul3A_91 = arith.muli %scan3A_89, %mul3A_90 : i32
        %add3A_92 = arith.constant 0 : i32
        %add3A_93 = arith.addi %add3A_92, %mul3A_91 : i32
        %get3A = arith.index_cast %add3A_93 : i32 to index
        %get3A_94 = arith.constant 0 : index
        %get3A_95 = tpu.vector_load %arg9[%get3A, %get3A_94] {strides = array<i32>} : memref<200x128xf32, #tpu.memory_space<vmem>>, vector<1x16xf32>,
        %get3A_96 = vector.shape_cast %get3A_95 : vector<1x16xf32> to vector<16xf32>
        %get3A_97 = arith.index_cast %add3A_93 : i32 to index
        %get3A_98 = arith.constant 0 : index
        %get3A_99 = tpu.vector_load %arg11[%get3A_97, %get3A_98] {strides = array<i32>} : memref<200x128xf32, #tpu.memory_space<vmem>>, vector<1x16xf32>,
        %get3A_100 = vector.shape_cast %get3A_99 : vector<1x16xf32> to vector<16xf32>
        %add3A_101 = arith.addf %get3A_96, %get3A_100 : vector<16xf32>
        %swap3A = arith.index_cast %add3A_93 : i32 to index
        %swap3A_102 = arith.constant 0 : index
        %swap3A_103 = tpu.vector_load %arg9[%swap3A, %swap3A_102] {strides = array<i32>} : memref<200x128xf32, #tpu.memory_space<vmem>>, vector<1x16xf32>,
        %swap3A_104 = vector.shape_cast %swap3A_103 : vector<1x16xf32> to vector<16xf32>
        %swap3A_105 = vector.shape_cast %add3A_101 : vector<16xf32> to vector<1x16xf32>
        tpu.vector_store %arg9[%swap3A, %swap3A_102], %swap3A_105 {strides = array<i32>} : memref<200x128xf32, #tpu.memory_space<vmem>>, vector<1x16xf32>,
        %get3A_106 = arith.index_cast %add3A_93 : i32 to index
        %get3A_107 = arith.constant 16 : index
        %get3A_108 = tpu.vector_load %arg9[%get3A_106, %get3A_107] {strides = array<i32>} : memref<200x128xf32, #tpu.memory_space<vmem>>, vector<1x16xf32>,
        %get3A_109 = vector.shape_cast %get3A_108 : vector<1x16xf32> to vector<16xf32>
        %get3A_110 = arith.index_cast %add3A_93 : i32 to index
        %get3A_111 = arith.constant 16 : index
        %get3A_112 = tpu.vector_load %arg11[%get3A_110, %get3A_111] {strides = array<i32>} : memref<200x128xf32, #tpu.memory_space<vmem>>, vector<1x16xf32>,
        %get3A_113 = vector.shape_cast %get3A_112 : vector<1x16xf32> to vector<16xf32>
        %add3A_114 = arith.addf %get3A_109, %get3A_113 : vector<16xf32>
        %swap3A_115 = arith.index_cast %add3A_93 : i32 to index
        %swap3A_116 = arith.constant 16 : index
        %swap3A_117 = tpu.vector_load %arg9[%swap3A_115, %swap3A_116] {strides = array<i32>} : memref<200x128xf32, #tpu.memory_space<vmem>>, vector<1x16xf32>,
        %swap3A_118 = vector.shape_cast %swap3A_117 : vector<1x16xf32> to vector<16xf32>
        %swap3A_119 = vector.shape_cast %add3A_114 : vector<16xf32> to vector<1x16xf32>
        tpu.vector_store %arg9[%swap3A_115, %swap3A_116], %swap3A_119 {strides = array<i32>} : memref<200x128xf32, #tpu.memory_space<vmem>>, vector<1x16xf32>,
        %get3A_120 = arith.index_cast %add3A_93 : i32 to index
        %get3A_121 = arith.constant 32 : index
        %get3A_122 = tpu.vector_load %arg9[%get3A_120, %get3A_121] {strides = array<i32>} : memref<200x128xf32, #tpu.memory_space<vmem>>, vector<1x16xf32>,
        %get3A_123 = vector.shape_cast %get3A_122 : vector<1x16xf32> to vector<16xf32>
        %get3A_124 = arith.index_cast %add3A_93 : i32 to index
        %get3A_125 = arith.constant 32 : index
        %get3A_126 = tpu.vector_load %arg11[%get3A_124, %get3A_125] {strides = array<i32>} : memref<200x128xf32, #tpu.memory_space<vmem>>, vector<1x16xf32>,
        %get3A_127 = vector.shape_cast %get3A_126 : vector<1x16xf32> to vector<16xf32>
        %add3A_128 = arith.addf %get3A_123, %get3A_127 : vector<16xf32>
        %swap3A_129 = arith.index_cast %add3A_93 : i32 to index
        %swap3A_130 = arith.constant 32 : index
        %swap3A_131 = tpu.vector_load %arg9[%swap3A_129, %swap3A_130] {strides = array<i32>} : memref<200x128xf32, #tpu.memory_space<vmem>>, vector<1x16xf32>,
        %swap3A_132 = vector.shape_cast %swap3A_131 : vector<1x16xf32> to vector<16xf32>
        %swap3A_133 = vector.shape_cast %add3A_128 : vector<16xf32> to vector<1x16xf32>
        tpu.vector_store %arg9[%swap3A_129, %swap3A_130], %swap3A_133 {strides = array<i32>} : memref<200x128xf32, #tpu.memory_space<vmem>>, vector<1x16xf32>,
        %get3A_134 = arith.index_cast %add3A_93 : i32 to index
        %get3A_135 = arith.constant 48 : index
        %get3A_136 = tpu.vector_load %arg9[%get3A_134, %get3A_135] {strides = array<i32>} : memref<200x128xf32, #tpu.memory_space<vmem>>, vector<1x16xf32>,
        %get3A_137 = vector.shape_cast %get3A_136 : vector<1x16xf32> to vector<16xf32>
        %get3A_138 = arith.index_cast %add3A_93 : i32 to index
        %get3A_139 = arith.constant 48 : index
        %get3A_140 = tpu.vector_load %arg11[%get3A_138, %get3A_139] {strides = array<i32>} : memref<200x128xf32, #tpu.memory_space<vmem>>, vector<1x16xf32>,
        %get3A_141 = vector.shape_cast %get3A_140 : vector<1x16xf32> to vector<16xf32>
        %add3A_142 = arith.addf %get3A_137, %get3A_141 : vector<16xf32>
        %swap3A_143 = arith.index_cast %add3A_93 : i32 to index
        %swap3A_144 = arith.constant 48 : index
        %swap3A_145 = tpu.vector_load %arg9[%swap3A_143, %swap3A_144] {strides = array<i32>} : memref<200x128xf32, #tpu.memory_space<vmem>>, vector<1x16xf32>,
        %swap3A_146 = vector.shape_cast %swap3A_145 : vector<1x16xf32> to vector<16xf32>
        %swap3A_147 = vector.shape_cast %add3A_142 : vector<16xf32> to vector<1x16xf32>
        tpu.vector_store %arg9[%swap3A_143, %swap3A_144], %swap3A_147 {strides = array<i32>} : memref<200x128xf32, #tpu.memory_space<vmem>>, vector<1x16xf32>,
        %get3A_148 = arith.index_cast %add3A_93 : i32 to index
        %get3A_149 = arith.constant 64 : index
        %get3A_150 = tpu.vector_load %arg9[%get3A_148, %get3A_149] {strides = array<i32>} : memref<200x128xf32, #tpu.memory_space<vmem>>, vector<1x16xf32>,
        %get3A_151 = vector.shape_cast %get3A_150 : vector<1x16xf32> to vector<16xf32>
        %get3A_152 = arith.index_cast %add3A_93 : i32 to index
        %get3A_153 = arith.constant 64 : index
        %get3A_154 = tpu.vector_load %arg11[%get3A_152, %get3A_153] {strides = array<i32>} : memref<200x128xf32, #tpu.memory_space<vmem>>, vector<1x16xf32>,
        %get3A_155 = vector.shape_cast %get3A_154 : vector<1x16xf32> to vector<16xf32>
        %add3A_156 = arith.addf %get3A_151, %get3A_155 : vector<16xf32>
        %swap3A_157 = arith.index_cast %add3A_93 : i32 to index
        %swap3A_158 = arith.constant 64 : index
        %swap3A_159 = tpu.vector_load %arg9[%swap3A_157, %swap3A_158] {strides = array<i32>} : memref<200x128xf32, #tpu.memory_space<vmem>>, vector<1x16xf32>,
        %swap3A_160 = vector.shape_cast %swap3A_159 : vector<1x16xf32> to vector<16xf32>
        %swap3A_161 = vector.shape_cast %add3A_156 : vector<16xf32> to vector<1x16xf32>
        tpu.vector_store %arg9[%swap3A_157, %swap3A_158], %swap3A_161 {strides = array<i32>} : memref<200x128xf32, #tpu.memory_space<vmem>>, vector<1x16xf32>,
        %get3A_162 = arith.index_cast %add3A_93 : i32 to index
        %get3A_163 = arith.constant 80 : index
        %get3A_164 = tpu.vector_load %arg9[%get3A_162, %get3A_163] {strides = array<i32>} : memref<200x128xf32, #tpu.memory_space<vmem>>, vector<1x16xf32>,
        %get3A_165 = vector.shape_cast %get3A_164 : vector<1x16xf32> to vector<16xf32>
        %get3A_166 = arith.index_cast %add3A_93 : i32 to index
        %get3A_167 = arith.constant 80 : index
        %get3A_168 = tpu.vector_load %arg11[%get3A_166, %get3A_167] {strides = array<i32>} : memref<200x128xf32, #tpu.memory_space<vmem>>, vector<1x16xf32>,
        %get3A_169 = vector.shape_cast %get3A_168 : vector<1x16xf32> to vector<16xf32>
        %add3A_170 = arith.addf %get3A_165, %get3A_169 : vector<16xf32>
        %swap3A_171 = arith.index_cast %add3A_93 : i32 to index
        %swap3A_172 = arith.constant 80 : index
        %swap3A_173 = tpu.vector_load %arg9[%swap3A_171, %swap3A_172] {strides = array<i32>} : memref<200x128xf32, #tpu.memory_space<vmem>>, vector<1x16xf32>,
        %swap3A_174 = vector.shape_cast %swap3A_173 : vector<1x16xf32> to vector<16xf32>
        %swap3A_175 = vector.shape_cast %add3A_170 : vector<16xf32> to vector<1x16xf32>
        tpu.vector_store %arg9[%swap3A_171, %swap3A_172], %swap3A_175 {strides = array<i32>} : memref<200x128xf32, #tpu.memory_space<vmem>>, vector<1x16xf32>,
        %get3A_176 = arith.index_cast %add3A_93 : i32 to index
        %get3A_177 = arith.constant 96 : index
        %get3A_178 = tpu.vector_load %arg9[%get3A_176, %get3A_177] {strides = array<i32>} : memref<200x128xf32, #tpu.memory_space<vmem>>, vector<1x16xf32>,
        %get3A_179 = vector.shape_cast %get3A_178 : vector<1x16xf32> to vector<16xf32>
        %get3A_180 = arith.index_cast %add3A_93 : i32 to index
        %get3A_181 = arith.constant 96 : index
        %get3A_182 = tpu.vector_load %arg11[%get3A_180, %get3A_181] {strides = array<i32>} : memref<200x128xf32, #tpu.memory_space<vmem>>, vector<1x16xf32>,
        %get3A_183 = vector.shape_cast %get3A_182 : vector<1x16xf32> to vector<16xf32>
        %add3A_184 = arith.addf %get3A_179, %get3A_183 : vector<16xf32>
        %swap3A_185 = arith.index_cast %add3A_93 : i32 to index
        %swap3A_186 = arith.constant 96 : index
        %swap3A_187 = tpu.vector_load %arg9[%swap3A_185, %swap3A_186] {strides = array<i32>} : memref<200x128xf32, #tpu.memory_space<vmem>>, vector<1x16xf32>,
        %swap3A_188 = vector.shape_cast %swap3A_187 : vector<1x16xf32> to vector<16xf32>
        %swap3A_189 = vector.shape_cast %add3A_184 : vector<16xf32> to vector<1x16xf32>
        tpu.vector_store %arg9[%swap3A_185, %swap3A_186], %swap3A_189 {strides = array<i32>} : memref<200x128xf32, #tpu.memory_space<vmem>>, vector<1x16xf32>,
        %get3A_190 = arith.index_cast %add3A_93 : i32 to index
        %get3A_191 = arith.constant 112 : index
        %get3A_192 = tpu.vector_load %arg9[%get3A_190, %get3A_191] {strides = array<i32>} : memref<200x128xf32, #tpu.memory_space<vmem>>, vector<1x16xf32>,
        %get3A_193 = vector.shape_cast %get3A_192 : vector<1x16xf32> to vector<16xf32>
        %get3A_194 = arith.index_cast %add3A_93 : i32 to index
        %get3A_195 = arith.constant 112 : index
        %get3A_196 = tpu.vector_load %arg11[%get3A_194, %get3A_195] {strides = array<i32>} : memref<200x128xf32, #tpu.memory_space<vmem>>, vector<1x16xf32>,
        %get3A_197 = vector.shape_cast %get3A_196 : vector<1x16xf32> to vector<16xf32>
        %add3A_198 = arith.addf %get3A_193, %get3A_197 : vector<16xf32>
        %swap3A_199 = arith.index_cast %add3A_93 : i32 to index
        %swap3A_200 = arith.constant 112 : index
        %swap3A_201 = tpu.vector_load %arg9[%swap3A_199, %swap3A_200] {strides = array<i32>} : memref<200x128xf32, #tpu.memory_space<vmem>>, vector<1x16xf32>,
        %swap3A_202 = vector.shape_cast %swap3A_201 : vector<1x16xf32> to vector<16xf32>
        %swap3A_203 = vector.shape_cast %add3A_198 : vector<16xf32> to vector<1x16xf32>
        tpu.vector_store %arg9[%swap3A_199, %swap3A_200], %swap3A_203 {strides = array<i32>} : memref<200x128xf32, #tpu.memory_space<vmem>>, vector<1x16xf32>,
      }
      %scan3A_53 = arith.constant 200 : i32
      %dma_start3A_54 = arith.constant 0 : i32
      %dma_start3A_55 = tpu.memref_slice %arg6[%add3A_38, %dma_start3A_54] : memref<320000x128xf32, #tpu.memory_space<hbm>> -> memref<200x128xf32, #tpu.memory_space<hbm>>
      %dma_start3A_56 = arith.constant 0 : i32
      %dma_start3A_57 = tpu.memref_slice %arg6[%add3A_38, %dma_start3A_56] : memref<320000x128xf32, #tpu.memory_space<hbm>> -> memref<200x128xf32, #tpu.memory_space<hbm>>
      tpu.enqueue_dma source(%arg9 : memref<200x128xf32, #tpu.memory_space<vmem>>) target(%dma_start3A_57 : memref<200x128xf32, #tpu.memory_space<hbm>>) target_semaphore(%arg17 : memref<!tpu.dma_semaphore, #tpu.memory_space<semaphore_mem>>)
      %add3A_58 = arith.constant 1 : i32
      %add3A_59 = arith.addi %add3A_29, %add3A_58 : i32
      %add3A_60 = arith.constant 1 : i32
      %add3A_61 = arith.addi %add3A_59, %add3A_60 : i32
      %lt3A_62 = arith.constant 50 : i32
      %lt3A_63 = arith.cmpi slt, %add3A_61, %lt3A_62 : i32
      %convert_element_type3A_64 = arith.extui %lt3A_63 : i1 to i32
      %cond3A_65 = arith.constant 0 : i32
      %cond3A_66 = arith.cmpi ne, %convert_element_type3A_64, %cond3A_65 : i32
      scf.if %cond3A_66 {
        %ge3A = arith.constant 2 : i32
        %ge3A_89 = arith.cmpi sge, %add3A_61, %ge3A : i32
        %convert_element_type3A_90 = arith.extui %ge3A_89 : i1 to i32
        %cond3A_91 = arith.constant 0 : i32
        %cond3A_92 = arith.cmpi ne, %convert_element_type3A_90, %cond3A_91 : i32
        scf.if %cond3A_92 {
          %dma_wait3A_103 = arith.constant 0 : i32
          %dma_wait3A_104 = tpu.memref_slice %arg6[%mul3A_2, %dma_wait3A_103] : memref<320000x128xf32, #tpu.memory_space<hbm>> -> memref<200x128xf32, #tpu.memory_space<hbm>>
          %dma_wait3A_105 = arith.constant 0 : i32
          %dma_wait3A_106 = tpu.memref_slice %arg6[%mul3A_2, %dma_wait3A_105] : memref<320000x128xf32, #tpu.memory_space<hbm>> -> memref<200x128xf32, #tpu.memory_space<hbm>>
          tpu.wait_dma2 semaphore(%arg17 : memref<!tpu.dma_semaphore, #tpu.memory_space<semaphore_mem>>) src(%arg9 : memref<200x128xf32, #tpu.memory_space<vmem>>) dst(%dma_wait3A_106 : memref<200x128xf32, #tpu.memory_space<hbm>>)
        } else {
        }
        %mul3A_93 = arith.constant 200 : i32
        %mul3A_94 = arith.muli %add3A_61, %mul3A_93 : i32
        %dma_start3A_95 = tpu.memref_slice %arg7[%mul3A_94] : memref<10000xi32, #tpu.memory_space<vmem>> -> memref<200xi32, #tpu.memory_space<vmem>>
        %dma_start3A_96 = arith.constant 0 : i32
        %dma_start3A_97 = arith.constant 0 : i32
        %dma_start3A_98 = tpu.memref_slice %arg2[%dma_start3A_96, %dma_start3A_97] : memref<10000x128xf32, #tpu.memory_space<hbm>> -> memref<10000x128xf32, #tpu.memory_space<hbm>>
        tpu.enqueue_indirect_dma source(%dma_start3A_98 : memref<10000x128xf32, #tpu.memory_space<hbm>>) target(%arg9 : memref<200x128xf32, #tpu.memory_space<vmem>>) offsets(%dma_start3A_95 : memref<200xi32, #tpu.memory_space<vmem>>) semaphore(%arg13 : memref<!tpu.dma_semaphore, #tpu.memory_space<semaphore_mem>>)
        %dma_start3A_99 = tpu.memref_slice %arg8[%mul3A_94] : memref<10000xi32, #tpu.memory_space<vmem>> -> memref<200xi32, #tpu.memory_space<vmem>>
        %dma_start3A_100 = arith.constant 0 : i32
        %dma_start3A_101 = arith.constant 0 : i32
        %dma_start3A_102 = tpu.memref_slice %arg3[%dma_start3A_100, %dma_start3A_101] : memref<10000x128xf32, #tpu.memory_space<hbm>> -> memref<10000x128xf32, #tpu.memory_space<hbm>>
        tpu.enqueue_indirect_dma source(%dma_start3A_102 : memref<10000x128xf32, #tpu.memory_space<hbm>>) target(%arg11 : memref<200x128xf32, #tpu.memory_space<vmem>>) offsets(%dma_start3A_99 : memref<200xi32, #tpu.memory_space<vmem>>) semaphore(%arg15 : memref<!tpu.dma_semaphore, #tpu.memory_space<semaphore_mem>>)
      } else {
      }
      %mul3A_67 = arith.constant 200 : i32
      %mul3A_68 = arith.muli %add3A_59, %mul3A_67 : i32
      %add3A_69 = arith.addi %mul3A_2, %mul3A_68 : i32
      %dma_wait3A_70 = arith.constant 0 : i32
      %dma_wait3A_71 = tpu.memref_slice %arg7[%dma_wait3A_70] : memref<10000xi32, #tpu.memory_space<vmem>> -> memref<200xi32, #tpu.memory_space<vmem>>
      %dma_wait3A_72 = arith.constant 0 : i32
      %dma_wait3A_73 = arith.constant 0 : i32
      %dma_wait3A_74 = tpu.memref_slice %arg2[%dma_wait3A_72, %dma_wait3A_73] : memref<10000x128xf32, #tpu.memory_space<hbm>> -> memref<10000x128xf32, #tpu.memory_space<hbm>>
      tpu.wait_indirect_dma semaphore(%arg14 : memref<!tpu.dma_semaphore, #tpu.memory_space<semaphore_mem>>) src(%dma_wait3A_74 : memref<10000x128xf32, #tpu.memory_space<hbm>>) dst(%arg10 : memref<200x128xf32, #tpu.memory_space<vmem>>)
      %dma_wait3A_75 = arith.constant 0 : i32
      %dma_wait3A_76 = tpu.memref_slice %arg8[%dma_wait3A_75] : memref<10000xi32, #tpu.memory_space<vmem>> -> memref<200xi32, #tpu.memory_space<vmem>>
      %dma_wait3A_77 = arith.constant 0 : i32
      %dma_wait3A_78 = arith.constant 0 : i32
      %dma_wait3A_79 = tpu.memref_slice %arg3[%dma_wait3A_77, %dma_wait3A_78] : memref<10000x128xf32, #tpu.memory_space<hbm>> -> memref<10000x128xf32, #tpu.memory_space<hbm>>
      tpu.wait_indirect_dma semaphore(%arg16 : memref<!tpu.dma_semaphore, #tpu.memory_space<semaphore_mem>>) src(%dma_wait3A_79 : memref<10000x128xf32, #tpu.memory_space<hbm>>) dst(%arg12 : memref<200x128xf32, #tpu.memory_space<vmem>>)
      %scan3A_80 = arith.constant 0 : i32
      %scan3A_81 = arith.constant 200 : i32
      %scan3A_82 = arith.addi %scan3A_80, %scan3A_81 : i32
      %scan3A_83 = arith.constant 1 : i32
      scf.for %scan3A_89 = %scan3A_80 to %scan3A_82 step %scan3A_83  : i32 {
        %mul3A_90 = arith.constant 1 : i32
        %mul3A_91 = arith.muli %scan3A_89, %mul3A_90 : i32
        %add3A_92 = arith.constant 0 : i32
        %add3A_93 = arith.addi %add3A_92, %mul3A_91 : i32
        %get3A = arith.index_cast %add3A_93 : i32 to index
        %get3A_94 = arith.constant 0 : index
        %get3A_95 = tpu.vector_load %arg10[%get3A, %get3A_94] {strides = array<i32>} : memref<200x128xf32, #tpu.memory_space<vmem>>, vector<1x16xf32>,
        %get3A_96 = vector.shape_cast %get3A_95 : vector<1x16xf32> to vector<16xf32>
        %get3A_97 = arith.index_cast %add3A_93 : i32 to index
        %get3A_98 = arith.constant 0 : index
        %get3A_99 = tpu.vector_load %arg12[%get3A_97, %get3A_98] {strides = array<i32>} : memref<200x128xf32, #tpu.memory_space<vmem>>, vector<1x16xf32>,
        %get3A_100 = vector.shape_cast %get3A_99 : vector<1x16xf32> to vector<16xf32>
        %add3A_101 = arith.addf %get3A_96, %get3A_100 : vector<16xf32>
        %swap3A = arith.index_cast %add3A_93 : i32 to index
        %swap3A_102 = arith.constant 0 : index
        %swap3A_103 = tpu.vector_load %arg10[%swap3A, %swap3A_102] {strides = array<i32>} : memref<200x128xf32, #tpu.memory_space<vmem>>, vector<1x16xf32>,
        %swap3A_104 = vector.shape_cast %swap3A_103 : vector<1x16xf32> to vector<16xf32>
        %swap3A_105 = vector.shape_cast %add3A_101 : vector<16xf32> to vector<1x16xf32>
        tpu.vector_store %arg10[%swap3A, %swap3A_102], %swap3A_105 {strides = array<i32>} : memref<200x128xf32, #tpu.memory_space<vmem>>, vector<1x16xf32>,
        %get3A_106 = arith.index_cast %add3A_93 : i32 to index
        %get3A_107 = arith.constant 16 : index
        %get3A_108 = tpu.vector_load %arg10[%get3A_106, %get3A_107] {strides = array<i32>} : memref<200x128xf32, #tpu.memory_space<vmem>>, vector<1x16xf32>,
        %get3A_109 = vector.shape_cast %get3A_108 : vector<1x16xf32> to vector<16xf32>
        %get3A_110 = arith.index_cast %add3A_93 : i32 to index
        %get3A_111 = arith.constant 16 : index
        %get3A_112 = tpu.vector_load %arg12[%get3A_110, %get3A_111] {strides = array<i32>} : memref<200x128xf32, #tpu.memory_space<vmem>>, vector<1x16xf32>,
        %get3A_113 = vector.shape_cast %get3A_112 : vector<1x16xf32> to vector<16xf32>
        %add3A_114 = arith.addf %get3A_109, %get3A_113 : vector<16xf32>
        %swap3A_115 = arith.index_cast %add3A_93 : i32 to index
        %swap3A_116 = arith.constant 16 : index
        %swap3A_117 = tpu.vector_load %arg10[%swap3A_115, %swap3A_116] {strides = array<i32>} : memref<200x128xf32, #tpu.memory_space<vmem>>, vector<1x16xf32>,
        %swap3A_118 = vector.shape_cast %swap3A_117 : vector<1x16xf32> to vector<16xf32>
        %swap3A_119 = vector.shape_cast %add3A_114 : vector<16xf32> to vector<1x16xf32>
        tpu.vector_store %arg10[%swap3A_115, %swap3A_116], %swap3A_119 {strides = array<i32>} : memref<200x128xf32, #tpu.memory_space<vmem>>, vector<1x16xf32>,
        %get3A_120 = arith.index_cast %add3A_93 : i32 to index
        %get3A_121 = arith.constant 32 : index
        %get3A_122 = tpu.vector_load %arg10[%get3A_120, %get3A_121] {strides = array<i32>} : memref<200x128xf32, #tpu.memory_space<vmem>>, vector<1x16xf32>,
        %get3A_123 = vector.shape_cast %get3A_122 : vector<1x16xf32> to vector<16xf32>
        %get3A_124 = arith.index_cast %add3A_93 : i32 to index
        %get3A_125 = arith.constant 32 : index
        %get3A_126 = tpu.vector_load %arg12[%get3A_124, %get3A_125] {strides = array<i32>} : memref<200x128xf32, #tpu.memory_space<vmem>>, vector<1x16xf32>,
        %get3A_127 = vector.shape_cast %get3A_126 : vector<1x16xf32> to vector<16xf32>
        %add3A_128 = arith.addf %get3A_123, %get3A_127 : vector<16xf32>
        %swap3A_129 = arith.index_cast %add3A_93 : i32 to index
        %swap3A_130 = arith.constant 32 : index
        %swap3A_131 = tpu.vector_load %arg10[%swap3A_129, %swap3A_130] {strides = array<i32>} : memref<200x128xf32, #tpu.memory_space<vmem>>, vector<1x16xf32>,
        %swap3A_132 = vector.shape_cast %swap3A_131 : vector<1x16xf32> to vector<16xf32>
        %swap3A_133 = vector.shape_cast %add3A_128 : vector<16xf32> to vector<1x16xf32>
        tpu.vector_store %arg10[%swap3A_129, %swap3A_130], %swap3A_133 {strides = array<i32>} : memref<200x128xf32, #tpu.memory_space<vmem>>, vector<1x16xf32>,
        %get3A_134 = arith.index_cast %add3A_93 : i32 to index
        %get3A_135 = arith.constant 48 : index
        %get3A_136 = tpu.vector_load %arg10[%get3A_134, %get3A_135] {strides = array<i32>} : memref<200x128xf32, #tpu.memory_space<vmem>>, vector<1x16xf32>,
        %get3A_137 = vector.shape_cast %get3A_136 : vector<1x16xf32> to vector<16xf32>
        %get3A_138 = arith.index_cast %add3A_93 : i32 to index
        %get3A_139 = arith.constant 48 : index
        %get3A_140 = tpu.vector_load %arg12[%get3A_138, %get3A_139] {strides = array<i32>} : memref<200x128xf32, #tpu.memory_space<vmem>>, vector<1x16xf32>,
        %get3A_141 = vector.shape_cast %get3A_140 : vector<1x16xf32> to vector<16xf32>
        %add3A_142 = arith.addf %get3A_137, %get3A_141 : vector<16xf32>
        %swap3A_143 = arith.index_cast %add3A_93 : i32 to index
        %swap3A_144 = arith.constant 48 : index
        %swap3A_145 = tpu.vector_load %arg10[%swap3A_143, %swap3A_144] {strides = array<i32>} : memref<200x128xf32, #tpu.memory_space<vmem>>, vector<1x16xf32>,
        %swap3A_146 = vector.shape_cast %swap3A_145 : vector<1x16xf32> to vector<16xf32>
        %swap3A_147 = vector.shape_cast %add3A_142 : vector<16xf32> to vector<1x16xf32>
        tpu.vector_store %arg10[%swap3A_143, %swap3A_144], %swap3A_147 {strides = array<i32>} : memref<200x128xf32, #tpu.memory_space<vmem>>, vector<1x16xf32>,
        %get3A_148 = arith.index_cast %add3A_93 : i32 to index
        %get3A_149 = arith.constant 64 : index
        %get3A_150 = tpu.vector_load %arg10[%get3A_148, %get3A_149] {strides = array<i32>} : memref<200x128xf32, #tpu.memory_space<vmem>>, vector<1x16xf32>,
        %get3A_151 = vector.shape_cast %get3A_150 : vector<1x16xf32> to vector<16xf32>
        %get3A_152 = arith.index_cast %add3A_93 : i32 to index
        %get3A_153 = arith.constant 64 : index
        %get3A_154 = tpu.vector_load %arg12[%get3A_152, %get3A_153] {strides = array<i32>} : memref<200x128xf32, #tpu.memory_space<vmem>>, vector<1x16xf32>,
        %get3A_155 = vector.shape_cast %get3A_154 : vector<1x16xf32> to vector<16xf32>
        %add3A_156 = arith.addf %get3A_151, %get3A_155 : vector<16xf32>
        %swap3A_157 = arith.index_cast %add3A_93 : i32 to index
        %swap3A_158 = arith.constant 64 : index
        %swap3A_159 = tpu.vector_load %arg10[%swap3A_157, %swap3A_158] {strides = array<i32>} : memref<200x128xf32, #tpu.memory_space<vmem>>, vector<1x16xf32>,
        %swap3A_160 = vector.shape_cast %swap3A_159 : vector<1x16xf32> to vector<16xf32>
        %swap3A_161 = vector.shape_cast %add3A_156 : vector<16xf32> to vector<1x16xf32>
        tpu.vector_store %arg10[%swap3A_157, %swap3A_158], %swap3A_161 {strides = array<i32>} : memref<200x128xf32, #tpu.memory_space<vmem>>, vector<1x16xf32>,
        %get3A_162 = arith.index_cast %add3A_93 : i32 to index
        %get3A_163 = arith.constant 80 : index
        %get3A_164 = tpu.vector_load %arg10[%get3A_162, %get3A_163] {strides = array<i32>} : memref<200x128xf32, #tpu.memory_space<vmem>>, vector<1x16xf32>,
        %get3A_165 = vector.shape_cast %get3A_164 : vector<1x16xf32> to vector<16xf32>
        %get3A_166 = arith.index_cast %add3A_93 : i32 to index
        %get3A_167 = arith.constant 80 : index
        %get3A_168 = tpu.vector_load %arg12[%get3A_166, %get3A_167] {strides = array<i32>} : memref<200x128xf32, #tpu.memory_space<vmem>>, vector<1x16xf32>,
        %get3A_169 = vector.shape_cast %get3A_168 : vector<1x16xf32> to vector<16xf32>
        %add3A_170 = arith.addf %get3A_165, %get3A_169 : vector<16xf32>
        %swap3A_171 = arith.index_cast %add3A_93 : i32 to index
        %swap3A_172 = arith.constant 80 : index
        %swap3A_173 = tpu.vector_load %arg10[%swap3A_171, %swap3A_172] {strides = array<i32>} : memref<200x128xf32, #tpu.memory_space<vmem>>, vector<1x16xf32>,
        %swap3A_174 = vector.shape_cast %swap3A_173 : vector<1x16xf32> to vector<16xf32>
        %swap3A_175 = vector.shape_cast %add3A_170 : vector<16xf32> to vector<1x16xf32>
        tpu.vector_store %arg10[%swap3A_171, %swap3A_172], %swap3A_175 {strides = array<i32>} : memref<200x128xf32, #tpu.memory_space<vmem>>, vector<1x16xf32>,
        %get3A_176 = arith.index_cast %add3A_93 : i32 to index
        %get3A_177 = arith.constant 96 : index
        %get3A_178 = tpu.vector_load %arg10[%get3A_176, %get3A_177] {strides = array<i32>} : memref<200x128xf32, #tpu.memory_space<vmem>>, vector<1x16xf32>,
        %get3A_179 = vector.shape_cast %get3A_178 : vector<1x16xf32> to vector<16xf32>
        %get3A_180 = arith.index_cast %add3A_93 : i32 to index
        %get3A_181 = arith.constant 96 : index
        %get3A_182 = tpu.vector_load %arg12[%get3A_180, %get3A_181] {strides = array<i32>} : memref<200x128xf32, #tpu.memory_space<vmem>>, vector<1x16xf32>,
        %get3A_183 = vector.shape_cast %get3A_182 : vector<1x16xf32> to vector<16xf32>
        %add3A_184 = arith.addf %get3A_179, %get3A_183 : vector<16xf32>
        %swap3A_185 = arith.index_cast %add3A_93 : i32 to index
        %swap3A_186 = arith.constant 96 : index
        %swap3A_187 = tpu.vector_load %arg10[%swap3A_185, %swap3A_186] {strides = array<i32>} : memref<200x128xf32, #tpu.memory_space<vmem>>, vector<1x16xf32>,
        %swap3A_188 = vector.shape_cast %swap3A_187 : vector<1x16xf32> to vector<16xf32>
        %swap3A_189 = vector.shape_cast %add3A_184 : vector<16xf32> to vector<1x16xf32>
        tpu.vector_store %arg10[%swap3A_185, %swap3A_186], %swap3A_189 {strides = array<i32>} : memref<200x128xf32, #tpu.memory_space<vmem>>, vector<1x16xf32>,
        %get3A_190 = arith.index_cast %add3A_93 : i32 to index
        %get3A_191 = arith.constant 112 : index
        %get3A_192 = tpu.vector_load %arg10[%get3A_190, %get3A_191] {strides = array<i32>} : memref<200x128xf32, #tpu.memory_space<vmem>>, vector<1x16xf32>,
        %get3A_193 = vector.shape_cast %get3A_192 : vector<1x16xf32> to vector<16xf32>
        %get3A_194 = arith.index_cast %add3A_93 : i32 to index
        %get3A_195 = arith.constant 112 : index
        %get3A_196 = tpu.vector_load %arg12[%get3A_194, %get3A_195] {strides = array<i32>} : memref<200x128xf32, #tpu.memory_space<vmem>>, vector<1x16xf32>,
        %get3A_197 = vector.shape_cast %get3A_196 : vector<1x16xf32> to vector<16xf32>
        %add3A_198 = arith.addf %get3A_193, %get3A_197 : vector<16xf32>
        %swap3A_199 = arith.index_cast %add3A_93 : i32 to index
        %swap3A_200 = arith.constant 112 : index
        %swap3A_201 = tpu.vector_load %arg10[%swap3A_199, %swap3A_200] {strides = array<i32>} : memref<200x128xf32, #tpu.memory_space<vmem>>, vector<1x16xf32>,
        %swap3A_202 = vector.shape_cast %swap3A_201 : vector<1x16xf32> to vector<16xf32>
        %swap3A_203 = vector.shape_cast %add3A_198 : vector<16xf32> to vector<1x16xf32>
        tpu.vector_store %arg10[%swap3A_199, %swap3A_200], %swap3A_203 {strides = array<i32>} : memref<200x128xf32, #tpu.memory_space<vmem>>, vector<1x16xf32>,
      }
      %scan3A_84 = arith.constant 200 : i32
      %dma_start3A_85 = arith.constant 0 : i32
      %dma_start3A_86 = tpu.memref_slice %arg6[%add3A_69, %dma_start3A_85] : memref<320000x128xf32, #tpu.memory_space<hbm>> -> memref<200x128xf32, #tpu.memory_space<hbm>>
      %dma_start3A_87 = arith.constant 0 : i32
      %dma_start3A_88 = tpu.memref_slice %arg6[%add3A_69, %dma_start3A_87] : memref<320000x128xf32, #tpu.memory_space<hbm>> -> memref<200x128xf32, #tpu.memory_space<hbm>>
      tpu.enqueue_dma source(%arg10 : memref<200x128xf32, #tpu.memory_space<vmem>>) target(%dma_start3A_88 : memref<200x128xf32, #tpu.memory_space<hbm>>) target_semaphore(%arg18 : memref<!tpu.dma_semaphore, #tpu.memory_space<semaphore_mem>>)
    }
    %scan3A_17 = arith.constant 25 : i32
    %dma_wait3A = arith.constant 0 : i32
    %dma_wait3A_18 = tpu.memref_slice %arg6[%mul3A_2, %dma_wait3A] : memref<320000x128xf32, #tpu.memory_space<hbm>> -> memref<200x128xf32, #tpu.memory_space<hbm>>
    %dma_wait3A_19 = arith.constant 0 : i32
    %dma_wait3A_20 = tpu.memref_slice %arg6[%mul3A_2, %dma_wait3A_19] : memref<320000x128xf32, #tpu.memory_space<hbm>> -> memref<200x128xf32, #tpu.memory_space<hbm>>
    tpu.wait_dma2 semaphore(%arg17 : memref<!tpu.dma_semaphore, #tpu.memory_space<semaphore_mem>>) src(%arg9 : memref<200x128xf32, #tpu.memory_space<vmem>>) dst(%dma_wait3A_20 : memref<200x128xf32, #tpu.memory_space<hbm>>)
    %dma_wait3A_21 = arith.constant 0 : i32
    %dma_wait3A_22 = tpu.memref_slice %arg6[%mul3A_2, %dma_wait3A_21] : memref<320000x128xf32, #tpu.memory_space<hbm>> -> memref<200x128xf32, #tpu.memory_space<hbm>>
    %dma_wait3A_23 = arith.constant 0 : i32
    %dma_wait3A_24 = tpu.memref_slice %arg6[%mul3A_2, %dma_wait3A_23] : memref<320000x128xf32, #tpu.memory_space<hbm>> -> memref<200x128xf32, #tpu.memory_space<hbm>>
    tpu.wait_dma2 semaphore(%arg18 : memref<!tpu.dma_semaphore, #tpu.memory_space<semaphore_mem>>) src(%arg10 : memref<200x128xf32, #tpu.memory_space<vmem>>) dst(%dma_wait3A_24 : memref<200x128xf32, #tpu.memory_space<hbm>>)
    return
  }
}

module attributes {stable_mosaic.version = 14 : i64} {
  func.func @_project_body(%arg0: i32, %arg1: memref<2000x128xf32, #tpu.memory_space<vmem>>, %arg2: memref<128x128xf32, #tpu.memory_space<vmem>>, %arg3: memref<128x128xf32, #tpu.memory_space<vmem>>, %arg4: memref<2000x128xf32, #tpu.memory_space<vmem>>, %arg5: memref<2000x128xf32, #tpu.memory_space<vmem>>) attributes {dimension_semantics = [#tpu.dimension_semantics<arbitrary>], iteration_bounds = array<i64: 5>, scalar_prefetch = 0 : i64, scratch_operands = 0 : i64, tpu.core_type = #tpu.core_type<tc>, window_params = [{transform_indices = @transform_0, window_bounds = array<i64: 2000, 128>}, {pipeline_mode = #tpu.pipeline_mode<synchronous>, transform_indices = @transform_1, window_bounds = array<i64: 128, 128>}, {pipeline_mode = #tpu.pipeline_mode<synchronous>, transform_indices = @transform_2, window_bounds = array<i64: 128, 128>}, {transform_indices = @transform_3, window_bounds = array<i64: 2000, 128>}, {transform_indices = @transform_4, window_bounds = array<i64: 2000, 128>}]} {
    %get3A = arith.constant 0 : index
    %get3A_0 = arith.constant 0 : index
    %get3A_1 = vector.load %arg1[%get3A, %get3A_0] : memref<2000x128xf32, #tpu.memory_space<vmem>>, vector<2000x128xf32>
    %get3A_2 = arith.constant 0 : index
    %get3A_3 = arith.constant 0 : index
    %get3A_4 = vector.load %arg2[%get3A_2, %get3A_3] : memref<128x128xf32, #tpu.memory_space<vmem>>, vector<128x128xf32>
    %dot_general3A = arith.constant dense<0.000000e+00> : vector<2000x128xf32>
    %dot_general3A_5 = tpu.matmul %get3A_1, %get3A_4, %dot_general3A {dimension_numbers = #tpu.dot_dimension_numbers<[1], [0], [0], [1], [0, 0, 1, 1], [], []>, transpose_lhs_hint = false} : vector<2000x128xf32>, vector<128x128xf32>, vector<2000x128xf32> -> vector<2000x128xf32>
    %swap3A = arith.constant 0 : index
    %swap3A_6 = arith.constant 0 : index
    %swap3A_7 = vector.load %arg4[%swap3A, %swap3A_6] : memref<2000x128xf32, #tpu.memory_space<vmem>>, vector<2000x128xf32>
    tpu.vector_store %arg4[%swap3A, %swap3A_6], %dot_general3A_5 {strides = array<i32>} : memref<2000x128xf32, #tpu.memory_space<vmem>>, vector<2000x128xf32>,
    %get3A_8 = arith.constant 0 : index
    %get3A_9 = arith.constant 0 : index
    %get3A_10 = vector.load %arg3[%get3A_8, %get3A_9] : memref<128x128xf32, #tpu.memory_space<vmem>>, vector<128x128xf32>
    %dot_general3A_11 = arith.constant dense<0.000000e+00> : vector<2000x128xf32>
    %dot_general3A_12 = tpu.matmul %get3A_1, %get3A_10, %dot_general3A_11 {dimension_numbers = #tpu.dot_dimension_numbers<[1], [0], [0], [1], [0, 0, 1, 1], [], []>, transpose_lhs_hint = false} : vector<2000x128xf32>, vector<128x128xf32>, vector<2000x128xf32> -> vector<2000x128xf32>
    %swap3A_13 = arith.constant 0 : index
    %swap3A_14 = arith.constant 0 : index
    %swap3A_15 = vector.load %arg5[%swap3A_13, %swap3A_14] : memref<2000x128xf32, #tpu.memory_space<vmem>>, vector<2000x128xf32>
    tpu.vector_store %arg5[%swap3A_13, %swap3A_14], %dot_general3A_12 {strides = array<i32>} : memref<2000x128xf32, #tpu.memory_space<vmem>>, vector<2000x128xf32>,
    return
  }
  func.func @transform_0(%arg0: i32) -> (i32, i32) {
    %c0_i32 = arith.constant 0 : i32
    %c0_i32_0 = arith.constant 0 : i32
    return %arg0, %c0_i32 : i32, i32
  }
  func.func @transform_1(%arg0: i32) -> (i32, i32) {
    %c0_i32 = arith.constant 0 : i32
    %c0_i32_0 = arith.constant 0 : i32
    %c0_i32_1 = arith.constant 0 : i32
    return %c0_i32, %c0_i32_0 : i32, i32
  }
  func.func @transform_2(%arg0: i32) -> (i32, i32) {
    %c0_i32 = arith.constant 0 : i32
    %c0_i32_0 = arith.constant 0 : i32
    %c0_i32_1 = arith.constant 0 : i32
    return %c0_i32, %c0_i32_0 : i32, i32
  }
  func.func @transform_3(%arg0: i32) -> (i32, i32) {
    %c0_i32 = arith.constant 0 : i32
    %c0_i32_0 = arith.constant 0 : i32
    return %arg0, %c0_i32 : i32, i32
  }
  func.func @transform_4(%arg0: i32) -> (i32, i32) {
    %c0_i32 = arith.constant 0 : i32
    %c0_i32_0 = arith.constant 0 : i32
    return %arg0, %c0_i32 : i32, i32
  }
}

module attributes {stable_mosaic.version = 14 : i64} {
  func.func @_mlp_body(%arg0: i32, %arg1: memref<4000x1xi32, #tpu.memory_space<vmem>>, %arg2: memref<4000x128xf32, #tpu.memory_space<vmem>>, %arg3: memref<4000x128xf32, #tpu.memory_space<vmem>>, %arg4: memref<64x128xf32, #tpu.memory_space<vmem>>, %arg5: memref<128x128xf32, #tpu.memory_space<vmem>>, %arg6: memref<128x128xf32, #tpu.memory_space<vmem>>, %arg7: memref<128x128xf32, #tpu.memory_space<vmem>>, %arg8: memref<128x128xf32, #tpu.memory_space<vmem>>, %arg9: memref<1x128xf32, #tpu.memory_space<vmem>>, %arg10: memref<1x128xf32, #tpu.memory_space<vmem>>, %arg11: memref<1x128xf32, #tpu.memory_space<vmem>>, %arg12: memref<4000x128xf32, #tpu.memory_space<vmem>>) attributes {dimension_semantics = [#tpu.dimension_semantics<arbitrary>], iteration_bounds = array<i64: 80>, scalar_prefetch = 0 : i64, scratch_operands = 0 : i64, tpu.core_type = #tpu.core_type<tc>, window_params = [{transform_indices = @transform_0, window_bounds = array<i64: 4000, 1>}, {transform_indices = @transform_1, window_bounds = array<i64: 4000, 128>}, {transform_indices = @transform_2, window_bounds = array<i64: 4000, 128>}, {pipeline_mode = #tpu.pipeline_mode<synchronous>, transform_indices = @transform_3, window_bounds = array<i64: 64, 128>}, {pipeline_mode = #tpu.pipeline_mode<synchronous>, transform_indices = @transform_4, window_bounds = array<i64: 128, 128>}, {pipeline_mode = #tpu.pipeline_mode<synchronous>, transform_indices = @transform_5, window_bounds = array<i64: 128, 128>}, {pipeline_mode = #tpu.pipeline_mode<synchronous>, transform_indices = @transform_6, window_bounds = array<i64: 128, 128>}, {pipeline_mode = #tpu.pipeline_mode<synchronous>, transform_indices = @transform_7, window_bounds = array<i64: 128, 128>}, {pipeline_mode = #tpu.pipeline_mode<synchronous>, transform_indices = @transform_8, window_bounds = array<i64: 1, 128>}, {pipeline_mode = #tpu.pipeline_mode<synchronous>, transform_indices = @transform_9, window_bounds = array<i64: 1, 128>}, {pipeline_mode = #tpu.pipeline_mode<synchronous>, transform_indices = @transform_10, window_bounds = array<i64: 1, 128>}, {transform_indices = @transform_11, window_bounds = array<i64: 4000, 128>}]} {
    %get3A = arith.constant 0 : index
    %get3A_0 = arith.constant 0 : index
    %get3A_1 = vector.load %arg4[%get3A, %get3A_0] : memref<64x128xf32, #tpu.memory_space<vmem>>, vector<64x128xf32>
    %get3A_2 = arith.constant 0 : index
    %get3A_3 = arith.constant 0 : index
    %get3A_4 = vector.load %arg6[%get3A_2, %get3A_3] : memref<128x128xf32, #tpu.memory_space<vmem>>, vector<128x128xf32>
    %dot_general3A = arith.constant dense<0.000000e+00> : vector<64x128xf32>
    %dot_general3A_5 = tpu.matmul %get3A_1, %get3A_4, %dot_general3A {dimension_numbers = #tpu.dot_dimension_numbers<[1], [0], [0], [1], [0, 0, 1, 1], [], []>, transpose_lhs_hint = false} : vector<64x128xf32>, vector<128x128xf32>, vector<64x128xf32> -> vector<64x128xf32>
    %get3A_6 = arith.constant 0 : index
    %get3A_7 = arith.constant 0 : index
    %get3A_8 = vector.load %arg9[%get3A_6, %get3A_7] : memref<1x128xf32, #tpu.memory_space<vmem>>, vector<1x128xf32>
    %add3A = vector.broadcast %get3A_8 : vector<1x128xf32> to vector<64x128xf32>
    %add3A_9 = arith.addf %dot_general3A_5, %add3A : vector<64x128xf32>
    %get3A_10 = arith.constant 0 : index
    %get3A_11 = arith.constant 0 : index
    %get3A_12 = vector.load %arg1[%get3A_10, %get3A_11] : memref<4000x1xi32, #tpu.memory_space<vmem>>, vector<4000x1xi32>
    %iota3A = tpu.iota {dimensions = array<i32: 1>} : vector<1x64xi32>
    %eq3A = vector.broadcast %get3A_12 : vector<4000x1xi32> to vector<4000x64xi32>
    %eq3A_13 = vector.broadcast %iota3A : vector<1x64xi32> to vector<4000x64xi32>
    %eq3A_14 = arith.cmpi eq, %eq3A, %eq3A_13 : vector<4000x64xi32>
    %convert_element_type3A = arith.extui %eq3A_14 : vector<4000x64xi1> to vector<4000x64xi32>
    %convert_element_type3A_15 = arith.sitofp %convert_element_type3A : vector<4000x64xi32> to vector<4000x64xf32>
    %get3A_16 = arith.constant 0 : index
    %get3A_17 = arith.constant 0 : index
    %get3A_18 = vector.load %arg2[%get3A_16, %get3A_17] : memref<4000x128xf32, #tpu.memory_space<vmem>>, vector<4000x128xf32>
    %get3A_19 = arith.constant 0 : index
    %get3A_20 = arith.constant 0 : index
    %get3A_21 = vector.load %arg5[%get3A_19, %get3A_20] : memref<128x128xf32, #tpu.memory_space<vmem>>, vector<128x128xf32>
    %dot_general3A_22 = arith.constant dense<0.000000e+00> : vector<4000x128xf32>
    %dot_general3A_23 = tpu.matmul %get3A_18, %get3A_21, %dot_general3A_22 {dimension_numbers = #tpu.dot_dimension_numbers<[1], [0], [0], [1], [0, 0, 1, 1], [], []>, transpose_lhs_hint = false} : vector<4000x128xf32>, vector<128x128xf32>, vector<4000x128xf32> -> vector<4000x128xf32>
    %get3A_24 = arith.constant 0 : index
    %get3A_25 = arith.constant 0 : index
    %get3A_26 = vector.load %arg3[%get3A_24, %get3A_25] : memref<4000x128xf32, #tpu.memory_space<vmem>>, vector<4000x128xf32>
    %add3A_27 = arith.addf %dot_general3A_23, %get3A_26 : vector<4000x128xf32>
    %dot_general3A_28 = arith.constant dense<0.000000e+00> : vector<4000x128xf32>
    %dot_general3A_29 = tpu.matmul %convert_element_type3A_15, %add3A_9, %dot_general3A_28 {dimension_numbers = #tpu.dot_dimension_numbers<[1], [0], [0], [1], [0, 0, 1, 1], [], []>, transpose_lhs_hint = false} : vector<4000x64xf32>, vector<64x128xf32>, vector<4000x128xf32> -> vector<4000x128xf32>
    %add3A_30 = arith.addf %add3A_27, %dot_general3A_29 : vector<4000x128xf32>
    %abs3A = math.absf %add3A_30 : vector<4000x128xf32>
    %mul3A = arith.constant -1.44269502 : f32
    %mul3A_31 = vector.broadcast %mul3A : f32 to vector<4000x128xf32>
    %mul3A_32 = arith.mulf %abs3A, %mul3A_31 : vector<4000x128xf32>
    %exp23A = math.exp2 %mul3A_32 : vector<4000x128xf32>
    %max3A = arith.constant 0.000000e+00 : f32
    %max3A_33 = vector.broadcast %max3A : f32 to vector<4000x128xf32>
    %max3A_34 = arith.maximumf %add3A_30, %max3A_33 : vector<4000x128xf32>
    %add3A_35 = arith.constant 1.000000e+00 : f32
    %add3A_36 = vector.broadcast %add3A_35 : f32 to vector<4000x128xf32>
    %add3A_37 = arith.addf %add3A_36, %exp23A : vector<4000x128xf32>
    %log3A = math.log %add3A_37 : vector<4000x128xf32>
    %log3A_38 = arith.constant 2.000000e+00 : f32
    %log3A_39 = math.log %log3A_38 : f32
    %div3A = vector.broadcast %log3A_39 : f32 to vector<4000x128xf32>
    %div3A_40 = arith.divf %log3A, %div3A : vector<4000x128xf32>
    %mul3A_41 = arith.constant 0.693147182 : f32
    %mul3A_42 = vector.broadcast %mul3A_41 : f32 to vector<4000x128xf32>
    %mul3A_43 = arith.mulf %div3A_40, %mul3A_42 : vector<4000x128xf32>
    %add3A_44 = arith.addf %max3A_34, %mul3A_43 : vector<4000x128xf32>
    %get3A_45 = arith.constant 0 : index
    %get3A_46 = arith.constant 0 : index
    %get3A_47 = vector.load %arg7[%get3A_45, %get3A_46] : memref<128x128xf32, #tpu.memory_space<vmem>>, vector<128x128xf32>
    %dot_general3A_48 = arith.constant dense<0.000000e+00> : vector<4000x128xf32>
    %dot_general3A_49 = tpu.matmul %add3A_44, %get3A_47, %dot_general3A_48 {dimension_numbers = #tpu.dot_dimension_numbers<[1], [0], [0], [1], [0, 0, 1, 1], [], []>, transpose_lhs_hint = false} : vector<4000x128xf32>, vector<128x128xf32>, vector<4000x128xf32> -> vector<4000x128xf32>
    %get3A_50 = arith.constant 0 : index
    %get3A_51 = arith.constant 0 : index
    %get3A_52 = vector.load %arg10[%get3A_50, %get3A_51] : memref<1x128xf32, #tpu.memory_space<vmem>>, vector<1x128xf32>
    %add3A_53 = vector.broadcast %get3A_52 : vector<1x128xf32> to vector<4000x128xf32>
    %add3A_54 = arith.addf %dot_general3A_49, %add3A_53 : vector<4000x128xf32>
    %abs3A_55 = math.absf %add3A_54 : vector<4000x128xf32>
    %mul3A_56 = arith.constant -1.44269502 : f32
    %mul3A_57 = vector.broadcast %mul3A_56 : f32 to vector<4000x128xf32>
    %mul3A_58 = arith.mulf %abs3A_55, %mul3A_57 : vector<4000x128xf32>
    %exp23A_59 = math.exp2 %mul3A_58 : vector<4000x128xf32>
    %max3A_60 = arith.constant 0.000000e+00 : f32
    %max3A_61 = vector.broadcast %max3A_60 : f32 to vector<4000x128xf32>
    %max3A_62 = arith.maximumf %add3A_54, %max3A_61 : vector<4000x128xf32>
    %add3A_63 = arith.constant 1.000000e+00 : f32
    %add3A_64 = vector.broadcast %add3A_63 : f32 to vector<4000x128xf32>
    %add3A_65 = arith.addf %add3A_64, %exp23A_59 : vector<4000x128xf32>
    %log3A_66 = math.log %add3A_65 : vector<4000x128xf32>
    %log3A_67 = arith.constant 2.000000e+00 : f32
    %log3A_68 = math.log %log3A_67 : f32
    %div3A_69 = vector.broadcast %log3A_68 : f32 to vector<4000x128xf32>
    %div3A_70 = arith.divf %log3A_66, %div3A_69 : vector<4000x128xf32>
    %mul3A_71 = arith.constant 0.693147182 : f32
    %mul3A_72 = vector.broadcast %mul3A_71 : f32 to vector<4000x128xf32>
    %mul3A_73 = arith.mulf %div3A_70, %mul3A_72 : vector<4000x128xf32>
    %add3A_74 = arith.addf %max3A_62, %mul3A_73 : vector<4000x128xf32>
    %get3A_75 = arith.constant 0 : index
    %get3A_76 = arith.constant 0 : index
    %get3A_77 = vector.load %arg8[%get3A_75, %get3A_76] : memref<128x128xf32, #tpu.memory_space<vmem>>, vector<128x128xf32>
    %dot_general3A_78 = arith.constant dense<0.000000e+00> : vector<4000x128xf32>
    %dot_general3A_79 = tpu.matmul %add3A_74, %get3A_77, %dot_general3A_78 {dimension_numbers = #tpu.dot_dimension_numbers<[1], [0], [0], [1], [0, 0, 1, 1], [], []>, transpose_lhs_hint = false} : vector<4000x128xf32>, vector<128x128xf32>, vector<4000x128xf32> -> vector<4000x128xf32>
    %get3A_80 = arith.constant 0 : index
    %get3A_81 = arith.constant 0 : index
    %get3A_82 = vector.load %arg11[%get3A_80, %get3A_81] : memref<1x128xf32, #tpu.memory_space<vmem>>, vector<1x128xf32>
    %add3A_83 = vector.broadcast %get3A_82 : vector<1x128xf32> to vector<4000x128xf32>
    %add3A_84 = arith.addf %dot_general3A_79, %add3A_83 : vector<4000x128xf32>
    %swap3A = arith.constant 0 : index
    %swap3A_85 = arith.constant 0 : index
    %swap3A_86 = vector.load %arg12[%swap3A, %swap3A_85] : memref<4000x128xf32, #tpu.memory_space<vmem>>, vector<4000x128xf32>
    tpu.vector_store %arg12[%swap3A, %swap3A_85], %add3A_84 {strides = array<i32>} : memref<4000x128xf32, #tpu.memory_space<vmem>>, vector<4000x128xf32>,
    return
  }
  func.func @transform_0(%arg0: i32) -> (i32, i32) {
    %add3A = arith.constant 0 : i32
    %add3A_0 = arith.addi %arg0, %add3A : i32
    %c0_i32 = arith.constant 0 : i32
    %c0_i32_1 = arith.constant 0 : i32
    return %add3A_0, %c0_i32 : i32, i32
  }
  func.func @transform_1(%arg0: i32) -> (i32, i32) {
    %add3A = arith.constant 0 : i32
    %add3A_0 = arith.addi %arg0, %add3A : i32
    %c0_i32 = arith.constant 0 : i32
    %c0_i32_1 = arith.constant 0 : i32
    return %add3A_0, %c0_i32 : i32, i32
  }
  func.func @transform_2(%arg0: i32) -> (i32, i32) {
    %c0_i32 = arith.constant 0 : i32
    %c0_i32_0 = arith.constant 0 : i32
    return %arg0, %c0_i32 : i32, i32
  }
  func.func @transform_3(%arg0: i32) -> (i32, i32) {
    %c0_i32 = arith.constant 0 : i32
    %c0_i32_0 = arith.constant 0 : i32
    %c0_i32_1 = arith.constant 0 : i32
    return %c0_i32, %c0_i32_0 : i32, i32
  }
  func.func @transform_4(%arg0: i32) -> (i32, i32) {
    %c0_i32 = arith.constant 0 : i32
    %c0_i32_0 = arith.constant 0 : i32
    %c0_i32_1 = arith.constant 0 : i32
    return %c0_i32, %c0_i32_0 : i32, i32
  }
  func.func @transform_5(%arg0: i32) -> (i32, i32) {
    %c0_i32 = arith.constant 0 : i32
    %c0_i32_0 = arith.constant 0 : i32
    %c0_i32_1 = arith.constant 0 : i32
    return %c0_i32, %c0_i32_0 : i32, i32
  }
  func.func @transform_6(%arg0: i32) -> (i32, i32) {
    %c0_i32 = arith.constant 0 : i32
    %c0_i32_0 = arith.constant 0 : i32
    %c0_i32_1 = arith.constant 0 : i32
    return %c0_i32, %c0_i32_0 : i32, i32
  }
  func.func @transform_7(%arg0: i32) -> (i32, i32) {
    %c0_i32 = arith.constant 0 : i32
    %c0_i32_0 = arith.constant 0 : i32
    %c0_i32_1 = arith.constant 0 : i32
    return %c0_i32, %c0_i32_0 : i32, i32
  }
  func.func @transform_8(%arg0: i32) -> (i32, i32) {
    %c0_i32 = arith.constant 0 : i32
    %c0_i32_0 = arith.constant 0 : i32
    %c0_i32_1 = arith.constant 0 : i32
    return %c0_i32, %c0_i32_0 : i32, i32
  }
  func.func @transform_9(%arg0: i32) -> (i32, i32) {
    %c0_i32 = arith.constant 0 : i32
    %c0_i32_0 = arith.constant 0 : i32
    %c0_i32_1 = arith.constant 0 : i32
    return %c0_i32, %c0_i32_0 : i32, i32
  }
  func.func @transform_10(%arg0: i32) -> (i32, i32) {
    %c0_i32 = arith.constant 0 : i32
    %c0_i32_0 = arith.constant 0 : i32
    %c0_i32_1 = arith.constant 0 : i32
    return %c0_i32, %c0_i32_0 : i32, i32
  }
  func.func @transform_11(%arg0: i32) -> (i32, i32) {
    %c0_i32 = arith.constant 0 : i32
    %c0_i32_0 = arith.constant 0 : i32
    return %arg0, %c0_i32 : i32, i32
  }
}

</mosaic_0001>

<sc_bundles>
// kernel: kernel.5.cloned.1.call-start
scs
__scs_entry_jumppad:
0x0: {  	(pc) =	sbr.rel $0x88, $3  }
0x1: {  	(tag) =	ssettag $0x0;
	lr =	simm.s32 $0x1  }
0x2: {  	[smem:$0x3F96] =	sst lr;
	_ =	strace $0xD0000000  }
0x3: {  	_ = 	snop  }
0x4: {  	_ = 	snop  }
0x5: {  	_ = 	snop  }
0x6: {  	_ = 	snop  }
0x7: {  	_ = 	snop  }
__scs_overlays_trampoline_lowered:
0x8: {  	[smem:$0x3FA5] =	sst s0  }
0x9: {  	[smem:$0x3FA6] =	sst s1  }
0xa: {  	[smem:$0x3FA7] =	sst s2  }
0xb: {  	[smem:$0x3FA8] =	sst s3  }
0xc: {  	[smem:$0x3FA9] =	sst s4  }
0xd: {  	[smem:$0x3FAA] =	sst s5  }
0xe: {  	[smem:$0x3FAB] =	sst s6  }
0xf: {  	[smem:$0x3FAC] =	sst s7  }
0x10: {  	[smem:$0x3FAD] =	sst s8  }
0x11: {  	[smem:$0x3FAE] =	sst s9;
	s0 =	simm.s32 @!p0 $0x0  }
0x12: {  	s1 =	sld [smem:$0x3F94];
	s0 =	simm.s32 @p0 $0x1  }
0x13: {  	[smem:$0x3FAF] =	sst s0;
	s0 =	simm.s32 @!p1 $0x0  }
0x14: {  	s2 =	sld [smem:$0x3F93];
	s0 =	simm.s32 @p1 $0x1  }
0x15: {  	[smem:$0x3FB0] =	sst s0;
	s0 =	simm.s32 @!p2 $0x0  }
0x16: {  	s3 =	sld [smem:$0x3FDB];
	s0 =	simm.s32 @p2 $0x1  }
0x17: {  	s4 =	simm.s32 $0x1BF5;
	[smem:$0x3FB2] =	sst s0  }
0x18: {  	s0 =	sld [smem:$0x3F95];
	_ =	swait.ge [sflag:s4], $0x0  }
0x19: {  	s7 =	sld [smem:$0x3F96]  }
0x1a: {  	s8 =	sadd.s32 $0xFFFFE003, lr  }
0x1b: {  	s9 =	sadd.s32 $0xFFFFFEF7, lr;
	s5 =	simm.s32 $0xFFFFFFFF;
	p2 =	slt.u32 s8, $0xFFFFF086  }
0x1c: {  	p1 =	slt.u32 s9, $0xF7A;
	s5 =	simm.s32 @!p2 $0x0  }
0x1d: {  	s5 =	simm.s32 @p1 $0x1;
	p0 =	seq.s32 s7, s2  }
0x1e: {  	s7 =	smul.u32 @!p0 $0xF7A, s2;
	p2 =	seq.s32 @!p0 s5, $0x0  }
0x1f: {  	s9 =	smul.u32 $0xF7A, s1;
	s8 =	simm.s32 @!p0 $0x1BF5;
	p2 =	por !p2, p0  }
0x20: {  	[sflag:s8] =	ssyncset.s32 @!p0 $0xFFFFF086;
	s6 =	sadd.s32 @!p0 s3, s7;
	s7 =	simm.s32 @!p0 $0x108  }
0x21: {  	s3 =	sadd.s32 s3, s9;
	s6 =	sadd.s32 @!p0 $0x88, s6;
	s7 =	simm.s32 @p2 $0x1082  }
0x22: {  	[simem:s7], [sflag:s8] =	dma.local @!p0 [hbm:s6], $0xF7A  }
0x23: {  	s9 =	sor.u32 $0xD0000000, s2;
	s6 =	simm.s32 $0x108;
	_ =	swait.ge @!p0 [sflag:s8], $0x0  }
0x24: {  	s3 =	sadd.s32 $0x88, s3;
	s6 =	simm.s32 @!p1 $0x1082;
	[sflag:s4] =	ssyncset.s32 $0xFFFFF086  }
0x25: {  	[simem:s6], [sflag:s4] =	dma.local [hbm:s3], $0xF7A  }
0x26: {  	[smem:$0x3F96] =	sst s1;
	(tag) =	ssettag s2;
	_ =	strace s9  }
0x27: {  	s1 =	sld [smem:$0x3FA6]  }
0x28: {  	s2 =	sld [smem:$0x3FA7]  }
0x29: {  	s4 =	sld [smem:$0x3FA9]  }
0x2a: {  	p0 =	seq.s32 s5, $0x0;
	s5 =	sld [smem:$0x3FAA]  }
0x2b: {  	s6 =	sld [smem:$0x3FAB]  }
0x2c: {  	s7 =	sld [smem:$0x3FAC]  }
0x2d: {  	s3 =	simm.s32 $0x108;
	s8 =	sld [smem:$0x3FAD]  }
0x2e: {  	s3 =	simm.s32 @!p0 $0x1082;
	s9 =	sld [smem:$0x3FAE]  }
0x2f: {  	lr =	sadd.s32 s0, s3;
	s0 =	sld [smem:$0x3FA5]  }
0x30: {  	s3 =	sld [smem:$0x3FA8]  }
0x31: {  	[smem:$0x3FB1] =	sst s10  }
0x32: {  	s10 =	sld [smem:$0x3FAF];
	_ =	sdelay $0x3  }
0x33: {  	p0 =	seq.s32 s10, $0x1;
	s10 =	sld [smem:$0x3FB1];
	_ =	sdelay $0x3  }
0x34: {  	[smem:$0x3FB1] =	sst s10  }
0x35: {  	s10 =	sld [smem:$0x3FB0];
	_ =	sdelay $0x3  }
0x36: {  	p1 =	seq.s32 s10, $0x1;
	s10 =	sld [smem:$0x3FB1];
	_ =	sdelay $0x3  }
0x37: {  	[smem:$0x3FB1] =	sst s10  }
0x38: {  	s10 =	sld [smem:$0x3FB2]  }
0x39: {  	_ = 	snop;
	(pc) =	sbr.ind lr, $3  }
0x3a: {  	_ = 	snop  }
0x3b: {  	_ = 	snop  }
0x3c: {  	p2 =	seq.s32 s10, $0x1;
	s10 =	sld [smem:$0x3FB1]  }
0x3d: {  	_ =	shalt  }
0x3e: {  	_ =	shalt  }
0x3f: {  	_ =	shalt  }
0x40: {  	_ =	shalt  }
0x41: {  	_ =	shalt  }
0x42: {  	_ =	shalt  }
0x43: {  	_ =	shalt  }
0x44: {  	_ =	shalt  }
0x45: {  	_ =	shalt  }
0x46: {  	_ =	shalt  }
0x47: {  	_ =	shalt  }
0x48: {  	_ =	shalt  }
0x49: {  	_ =	shalt  }
0x4a: {  	_ =	shalt  }
0x4b: {  	_ =	shalt  }
0x4c: {  	_ =	shalt  }
0x4d: {  	_ =	shalt  }
0x4e: {  	_ =	shalt  }
0x4f: {  	_ =	shalt  }
0x50: {  	_ =	shalt  }
0x51: {  	_ =	shalt  }
0x52: {  	_ =	shalt  }
0x53: {  	_ =	shalt  }
0x54: {  	_ =	shalt  }
0x55: {  	_ =	shalt  }
0x56: {  	_ =	shalt  }
0x57: {  	_ =	shalt  }
0x58: {  	_ =	shalt  }
0x59: {  	_ =	shalt  }
0x5a: {  	_ =	shalt  }
0x5b: {  	_ =	shalt  }
0x5c: {  	_ =	shalt  }
0x5d: {  	_ =	shalt  }
0x5e: {  	_ =	shalt  }
0x5f: {  	_ =	shalt  }
0x60: {  	_ =	shalt  }
0x61: {  	_ =	shalt  }
0x62: {  	_ =	shalt  }
0x63: {  	_ =	shalt  }
0x64: {  	_ =	shalt  }
0x65: {  	_ =	shalt  }
0x66: {  	_ =	shalt  }
0x67: {  	_ =	shalt  }
0x68: {  	_ =	shalt  }
0x69: {  	_ =	shalt  }
0x6a: {  	_ =	shalt  }
0x6b: {  	_ =	shalt  }
0x6c: {  	_ =	shalt  }
0x6d: {  	_ =	shalt  }
0x6e: {  	_ =	shalt  }
0x6f: {  	_ =	shalt  }
0x70: {  	_ =	shalt  }
0x71: {  	_ =	shalt  }
0x72: {  	_ =	shalt  }
0x73: {  	_ =	shalt  }
0x74: {  	_ =	shalt  }
0x75: {  	_ =	shalt  }
0x76: {  	_ =	shalt  }
0x77: {  	_ =	shalt  }
0x78: {  	_ =	shalt  }
0x79: {  	_ =	shalt  }
0x7a: {  	_ =	shalt  }
0x7b: {  	_ =	shalt  }
0x7c: {  	_ =	shalt  }
0x7d: {  	_ =	shalt  }
0x7e: {  	_ =	shalt  }
0x7f: {  	_ =	shalt  }
0x80: {  	_ =	shalt  }
0x81: {  	_ =	shalt  }
0x82: {  	_ =	shalt  }
0x83: {  	_ =	shalt  }
0x84: {  	_ =	shalt  }
0x85: {  	_ =	shalt  }
0x86: {  	_ =	shalt  }
0x87: {  	_ =	shalt  }
.Lfunc_end0:
.L_simem_size_0:
called_computation_lowered:
.L_overlay_start_0:
0x88: {  	s2 =	sld [smem:$0x3FD9]  }
0x89: {  	s3 =	sld [smem:$0x3FFE];
	_ =	sdelay $0x1  }
0x8a: {  	s1 =	srdreg.scid  }
0x8b: {  	s0 =	sand.u32 $0x1, s1  }
0x8c: {  	s17 =	sshll.u32 s0, $0xA;
	s2 =	sadd.s32 s3, s2  }
0x8d: {  	s2 =	sadd.s32 s2, s17  }
0x8e: {  	[smem:$0x3FBD] =	sst s2  }
0x8f: {  	_ = 	snop  }
0x90: {  	s2 =	sld [smem:$0x3FD0];
	(tm) =	ssettm $0x1  }
0x91: {  	s18 =	sld [smem:$0x3FFB];
	_ =	sdelay $0x3  }
0x92: {  	_ =	strace s18  }
0x93: {  	s3 =	sld [smem:$0x3FFC];
	_ =	sdelay $0x3  }
0x94: {  	_ =	strace s3  }
0x95: {  	s3 =	sld [smem:$0x3FFD];
	_ =	sdelay $0x3  }
0x96: {  	_ =	strace s3  }
0x97: {  	_ =	strace $0x8FFFFFFF  }
0x98: {  	s19 =	sld [smem:$0x3FDB];
	_ =	sdelay $0x1  }
0x99: {  	s4 =	simm.s32 $_scs_section_size  }
0x9a: {  	s5 =	simm.s32 $_size__tile_overlayer_lowered;
	s6 =	simm.s32 $_tile_overlayer_lowered  }
0x9b: {  	s22 =	simm.s32 $0x1BFF;
	s21 =	sshll.u32 s6, $0x1;
	s3 =	sadd.s32 s4, s19  }
0x9c: {  	s7 =	simm.s32 $0x0;
	s20 =	sshll.u32 s5, $0x1;
	s5 =	sadd.s32 s21, s3  }
0x9d: {  	[timem:s7], [sflag:s22] =	dma.local [hbm:s5], s20  }
0x9e: {  	_ =	swait.ge [sflag:s22], s20  }
0x9f: {  	s4 =	ssub.s32 $0x0, s20;
	[sflag:s22] =	ssyncset.done $0x0  }
0xa0: {  	[sflag:s22] =	ssyncadd.s32 s4;
	_ =	sdelay $0x1  }
0xa1: {  	s23 =	simm.s32 $0x1B8B  }
0xa2: {  	_ =	swait.ge [sflag:s23], $0x1  }
0xa3: {  	[sflag:s23] =	ssyncset.done $0x0  }
0xa4: {  	s25 =	simm.s32 $0x1B8E;
	s24 =	sld [smem:$0x3FFE];
	[sflag:s23] =	ssyncadd.s32 $0xFFFFFFFF  }
0xa5: {  	s26 =	simm.s32 $execute0_lowered;
	[smem:$0x3FD2] =	sst s25  }
0xa6: {  	s5 =	sshll.u32 s26, $0x1;
	_ =	strace $0x80000046;
	[dreg:$0x1] =	wrdreg $0xFFFFFFFF  }
0xa7: {  	s28 =	simm.s32 $_size_execute0_lowered;
	s3 =	sadd.s32 s3, s5;
	[dreg:$0x0] =	wrdreg $0x0  }
0xa8: {  	s5 =	sshll.u32 s28, $0x1;
	[dreg:$0x2] =	wrdreg s3  }
0xa9: {  	[dreg:$0x3] =	wrdreg s5  }
0xaa: {  	[dreg:$0x4] =	wrdreg $0xC0  }
0xab: {  	_ =	task [dreg:s7], $0x5FFFF  }
0xac: {  	[dreg:$0x1] =	wrdreg $0xFFFFFFFF  }
0xad: {  	[dreg:$0x0] =	wrdreg $0x60  }
0xae: {  	[dreg:$0x2] =	wrdreg s2  }
0xaf: {  	[dreg:$0x3] =	wrdreg s24  }
0xb0: {  	[dreg:$0x4] =	wrdreg $0x9  }
0xb1: {  	_ =	task.clear_ibuf [dreg:s7], $0x5FFFF;
	_ =	strace $0x90000046  }
0xb2: {  	s29 =	simm.s32 $0x9;
	_ =	strace $0x80000048  }
0xb3: {  	_ =	swait.ge [sflag:s29], $0x1  }
0xb4: {  	[sflag:s29] =	ssyncadd.s32 $0xFFFFFFFF  }
0xb5: {  	_ =	strace $0x90000048  }
0xb6: {  	_ =	sfence  }
0xb7: {  	s30 =	sld [smem:$0x0];
	_ =	sdelay $0x2  }
0xb8: {  	s31 =	sshll.u32 s1, $0xD;
	s1 =	sshrl.u32 s1, $0x2  }
0xb9: {  	s3 =	sand.u32 $0x4000, s31;
	s1 =	sadd.s32 s1, s30  }
0xba: {  	s0 =	sor.u32 s3, s0;
	s1 =	sshll.u32 s1, $0x11  }
0xbb: {  	s0 =	sor.u32 s1, s0  }
0xbc: {  	s0 =	sadd.s32 $0x8F2B, s0  }
0xbd: {  	[sflag:s0] =	ssyncadd.remote.s32 $0x1  }
0xbe: {  	_ =	sfence.sel $0xFFFF  }
0xbf: {  	[dreg:$0x0] =	wrdreg $0xFFFFFFFF;
	(pc) =	sbr.abs _section_cstart, $3  }
0xc0: {  	[dreg:$0x1] =	wrdreg $0xFFFFFFFF  }
0xc1: {  	_ =	task.clear_ibuf [dreg:s7], $0x2FFFF;
	_ =	strace $0x9FFFFFFF  }
0xc2: {  	(tm) =	ssettm $0x7FFFFFFF  }
0xc3: {  	_ =	shalt  }
tec
execute0_lowered:
.L_overlay_start_1:
0x0: {  	(tag) =	ssettag $0x1  }
0x1: {  	s2 =	rddreg [dreg:$0x0]  }
0x2: {  	s1 =	srdreg.scid;
	s0 =	stileid.u32  }
0x3: {  	s6 =	rddreg [dreg:$0x1];
	s3 =	simm.s32 $0x0;
	s10 =	simm.s32 $0x7  }
0x4: {  	s11 =	simm.s32 $0x2780;
	s12 =	simm.s32 $0xC8;
	s13 =	simm.s32 $0x4F00  }
0x5: {  	s14 =	simm.s32 $0x11700;
	s15 =	simm.s32 $0xB300;
	s16 =	simm.s32 $0x17B00  }
0x6: {  	s17 =	simm.s32 $0x1;
	s18 =	simm.s32 $0x3;
	s19 =	simm.s32 $0x2  }
0x7: {  	s20 =	simm.s32 $0x4;
	s7 =	sand.u32 $0x1, s1;
	s4 =	sshll.u32 s0, $0x1  }
0x8: {  	s21 =	simm.s32 $0x5;
	s22 =	simm.s32 $0x6;
	s4 =	sor.u32 s7, s4  }
0x9: {  	s1 =	rddreg [dreg:$0x2];
	s7 =	ssub.s32 $0x2, s7;
	s4 =	smul.u32 $0x2710, s4  }
0xa: {  	s23 =	simm.s32 $0x0;
	[smem:$0x7FF] =	sst s3;
	s9 =	sshrl.u32 s7, $0x1  }
0xb: {  	s5 =	sadd.s32 $0x16400, s6;
	s9 =	ssub.s32 s7, s9;
	s8 =	sshrl.u32 s4, $0x3  }
0xc: {  	_ =	strace $0x80000047;
	s9 =	smax.u32 s9, $0x1;
	s8 =	sadd.s32 s8, s6  }
0xd: {  	s6 =	sadd.s32 $0x3D600, s6;
	s7 =	sadd.s32 $0xC600, s8;
	s8 =	sadd.s32 $0x2800, s8  }
.LBB2_1:
0xe: {  	[tilespmem:s3], [sflag:$0x7] =	stream.linear.gather [hbm4b:s7+s3], $0x2710, $0x38;
	[tilespmem:$0x1DF00] =	vst v63  }
0xf: {  	_ =	swait.ge [sflag:s10], $0x2710  }
0x10: {  	[sflag:s10] =	ssyncset.done $0x0  }
0x11: {  	[sflag:s10] =	ssyncadd.s32 $0xFFFFD8F0  }
0x12: {  	[tilespmem:s11], [sflag:$0x7] =	stream.linear.gather [hbm4b:s8+s3], $0x2710, $0x38;
	[tilespmem:$0x1DF00] =	vst v63  }
0x13: {  	_ =	swait.ge [sflag:s10], $0x2710  }
0x14: {  	[sflag:s10] =	ssyncset.done $0x0  }
0x15: {  	[sflag:s10] =	ssyncadd.s32 $0xFFFFD8F0  }
0x16: {  	[tilespmem:s13], [sflag:$0x1] =	stream.indirect.gather [hbm4b:s2+s12], $0x80, s3, s12, $0xb8;
	[tilespmem:$0x1DF00] =	vst v63  }
0x17: {  	s24 =	simm.s32 $0x0  }
0x18: {  	[tilespmem:s14], [sflag:$0x3] =	stream.indirect.gather [hbm4b:s5+s12], $0x80, s11, s12, $0xb8;
	[tilespmem:$0x1DF00] =	vst v63  }
.LBB2_2:
0x19: {  	p0 =	seq.s32 s24, $0x0  }
0x1a: {  	s25 =	simm.s32 @!p0 $0x6  }
0x1b: {  	s26 =	smul.u32 $0x190, s24;
	_ =	swait.ge @!p0 [sflag:s25], $0x6400  }
0x1c: {  	[sflag:s25] =	ssyncset.done @!p0 $0x0  }
0x1d: {  	[sflag:s25] =	ssyncadd.s32 @!p0 $0xFFFF9C00;
	s25 =	sadd.s32 $0xC8, s26  }
0x1e: {  	[tilespmem:s15], [sflag:$0x2] =	stream.indirect.gather [hbm4b:s2+s12], $0x80, s25, s12, $0xb8;
	[tilespmem:$0x1DF00] =	vst v63  }
0x1f: {  	s28 =	sadd.s32 $0x2848, s26  }
0x20: {  	[tilespmem:s16], [sflag:$0x4] =	stream.indirect.gather [hbm4b:s5+s12], $0x80, s28, s12, $0xb8;
	[tilespmem:$0x1DF00] =	vst v63  }
0x21: {  	_ =	swait.ge [sflag:s17], $0x6400  }
0x22: {  	[sflag:s17] =	ssyncset.done $0x0  }
0x23: {  	[sflag:s17] =	ssyncadd.s32 $0xFFFF9C00  }
0x24: {  	_ =	swait.ge [sflag:s18], $0x6400  }
0x25: {  	[sflag:s18] =	ssyncset.done $0x0  }
0x26: {  	s28 =	simm.s32 $0x0;
	[sflag:s18] =	ssyncadd.s32 $0xFFFF9C00  }
0x27: {  	v7 =	vld [tilespmem:s28+$0x11700]  }
0x28: {  	v11 =	vld [tilespmem:s28+$0x11710]  }
0x29: {  	v5 =	vld [tilespmem:s28+$0x11720]  }
0x2a: {  	v4 =	vld [tilespmem:s28+$0x11730]  }
0x2b: {  	v3 =	vld [tilespmem:s28+$0x11740]  }
0x2c: {  	v2 =	vld [tilespmem:s28+$0x11750]  }
0x2d: {  	v1 =	vld [tilespmem:s28+$0x11760]  }
0x2e: {  	v0 =	vld [tilespmem:s28+$0x11770]  }
0x2f: {  	v12 =	vld [tilespmem:s28+$0x4F00]  }
0x30: {  	v13 =	vld [tilespmem:s28+$0x4F10]  }
0x31: {  	v10 =	vld [tilespmem:s28+$0x4F20]  }
0x32: {  	v9 =	vld [tilespmem:s28+$0x4F30]  }
0x33: {  	v8 =	vld [tilespmem:s28+$0x4F40]  }
0x34: {  	v6 =	vld [tilespmem:s28+$0x4F50];
	v12 =	vadd.f32 v7, v12  }
0x35: {  	s29 =	simm.s32 $0x200;
	v11 =	vadd.f32 v11, v13;
	v7 =	vld [tilespmem:s28+$0x4F60]  }
.LBB2_3:
0x36: {  	s30 =	sshra.s32 s29, $0x2;
	p0 =	sne.s32 s29, $0x18E00;
	[tilespmem:s28+$0x4F00] =	vst v12;
	v5 =	vadd.f32 v5, v10;
	v10 =	vld [tilespmem:s28+$0x4F70]  }
0x37: {  	v12 =	vld [tilespmem:s30+$0x11700];
	[tilespmem:s28+$0x4F10] =	vst v11;
	v4 =	vadd.f32 v4, v9  }
0x38: {  	v11 =	vld [tilespmem:s30+$0x11710];
	[tilespmem:s28+$0x4F20] =	vst v5;
	v3 =	vadd.f32 v3, v8  }
0x39: {  	v5 =	vld [tilespmem:s30+$0x11720];
	[tilespmem:s28+$0x4F30] =	vst v4;
	v2 =	vadd.f32 v2, v6  }
0x3a: {  	v4 =	vld [tilespmem:s30+$0x11730];
	[tilespmem:s28+$0x4F40] =	vst v3;
	v1 =	vadd.f32 v1, v7  }
0x3b: {  	v3 =	vld [tilespmem:s30+$0x11740];
	[tilespmem:s28+$0x4F50] =	vst v2;
	v0 =	vadd.f32 v0, v10  }
0x3c: {  	v2 =	vld [tilespmem:s30+$0x11750];
	[tilespmem:s28+$0x4F60] =	vst v1  }
0x3d: {  	v1 =	vld [tilespmem:s30+$0x11760];
	[tilespmem:s28+$0x4F70] =	vst v0;
	s28 =	smov.u32 s30  }
0x3e: {  	v0 =	vld [tilespmem:s28+$0x11770]  }
0x3f: {  	v6 =	vld [tilespmem:s28+$0x4F00]  }
0x40: {  	v7 =	vld [tilespmem:s28+$0x4F10]  }
.Ltmp0:
0x41: {  	v10 =	vld [tilespmem:s28+$0x4F20];
	(pc) =	sbr.rel @p0 .LBB2_3-.Ltmp0, $4  }
0x42: {  	v9 =	vld [tilespmem:s28+$0x4F30]  }
0x43: {  	v8 =	vld [tilespmem:s28+$0x4F40]  }
0x44: {  	v12 =	vadd.f32 v12, v6;
	v6 =	vld [tilespmem:s28+$0x4F50]  }
0x45: {  	s29 =	sadd.s32 $0x200, s29;
	v11 =	vadd.f32 v11, v7;
	v7 =	vld [tilespmem:s28+$0x4F60]  }
0x46: {  	[tilespmem:s28+$0x4F00] =	vst v12;
	v5 =	vadd.f32 v5, v10;
	v10 =	vld [tilespmem:s28+$0x4F70]  }
0x47: {  	[tilespmem:s28+$0x4F10] =	vst v11;
	v4 =	vadd.f32 v4, v9  }
0x48: {  	[tilespmem:s28+$0x4F20] =	vst v5;
	v3 =	vadd.f32 v3, v8  }
0x49: {  	[tilespmem:s28+$0x4F30] =	vst v4;
	v2 =	vadd.f32 v2, v6  }
0x4a: {  	[tilespmem:s28+$0x4F40] =	vst v3;
	v1 =	vadd.f32 v1, v7  }
0x4b: {  	s29 =	sadd.s32 s4, s26;
	[tilespmem:s28+$0x4F50] =	vst v2;
	v0 =	vadd.f32 v0, v10  }
0x4c: {  	s29 =	sshll.u32 s29, $0x4;
	[tilespmem:s28+$0x4F60] =	vst v1  }
0x4d: {  	p0 =	seq.s32 s24, $0x18;
	[tilespmem:s28+$0x4F70] =	vst v0;
	s28 =	sadd.s32 s6, s29  }
0x4e: {  	[hbm4b:s28+s3] =	stream.linear.scatter [tilespmem:s13], [sflag:$0x5], $0x6400, $0x38;
	[tilespmem:$0x1DF00] =	vst v63  }
0x4f: {  	s28 =	simm.s32 @!p0 $0x5  }
0x50: {  	_ =	swait.ge @!p0 [sflag:s28], $0x6400  }
0x51: {  	s30 =	simm.s32 @!p0 $0x4F00;
	[sflag:s28] =	ssyncset.done @!p0 $0x0  }
0x52: {  	s29 =	simm.s32 @!p0 $0xC8;
	[sflag:s28] =	ssyncadd.s32 @!p0 $0xFFFF9C00;
	s28 =	sadd.s32 @!p0 $0x190, s26  }
0x53: {  	[tilespmem:s30], [sflag:$0x1] =	stream.indirect.gather @!p0 [hbm4b:s2+s29], $0x80, s28, s29, $0xb8;
	[tilespmem:$0x1DF00] =	vst v63  }
0x54: {  	s26 =	sadd.s32 @!p0 $0x2910, s26;
	s28 =	simm.s32 @!p0 $0x11700  }
0x55: {  	[tilespmem:s28], [sflag:$0x3] =	stream.indirect.gather @!p0 [hbm4b:s5+s29], $0x80, s26, s29, $0xb8;
	[tilespmem:$0x1DF00] =	vst v63  }
0x56: {  	_ =	swait.ge [sflag:s19], $0x6400  }
0x57: {  	[sflag:s19] =	ssyncset.done $0x0  }
0x58: {  	[sflag:s19] =	ssyncadd.s32 $0xFFFF9C00  }
0x59: {  	_ =	swait.ge [sflag:s20], $0x6400  }
0x5a: {  	[sflag:s20] =	ssyncset.done $0x0  }
0x5b: {  	s26 =	simm.s32 $0x0;
	[sflag:s20] =	ssyncadd.s32 $0xFFFF9C00  }
0x5c: {  	v7 =	vld [tilespmem:s26+$0x17B00]  }
0x5d: {  	v11 =	vld [tilespmem:s26+$0x17B10]  }
0x5e: {  	v5 =	vld [tilespmem:s26+$0x17B20]  }
0x5f: {  	v4 =	vld [tilespmem:s26+$0x17B30]  }
0x60: {  	v3 =	vld [tilespmem:s26+$0x17B40]  }
0x61: {  	v2 =	vld [tilespmem:s26+$0x17B50]  }
0x62: {  	v1 =	vld [tilespmem:s26+$0x17B60]  }
0x63: {  	v0 =	vld [tilespmem:s26+$0x17B70]  }
0x64: {  	v12 =	vld [tilespmem:s26+$0xB300]  }
0x65: {  	v13 =	vld [tilespmem:s26+$0xB310]  }
0x66: {  	v10 =	vld [tilespmem:s26+$0xB320]  }
0x67: {  	v9 =	vld [tilespmem:s26+$0xB330]  }
0x68: {  	v8 =	vld [tilespmem:s26+$0xB340]  }
0x69: {  	v6 =	vld [tilespmem:s26+$0xB350];
	v12 =	vadd.f32 v7, v12  }
0x6a: {  	s28 =	simm.s32 $0x200;
	v11 =	vadd.f32 v11, v13;
	v7 =	vld [tilespmem:s26+$0xB360]  }
.LBB2_5:
0x6b: {  	s29 =	sshra.s32 s28, $0x2;
	p0 =	sne.s32 s28, $0x18E00;
	[tilespmem:s26+$0xB300] =	vst v12;
	v5 =	vadd.f32 v5, v10;
	v10 =	vld [tilespmem:s26+$0xB370]  }
0x6c: {  	v12 =	vld [tilespmem:s29+$0x17B00];
	[tilespmem:s26+$0xB310] =	vst v11;
	v4 =	vadd.f32 v4, v9  }
0x6d: {  	v11 =	vld [tilespmem:s29+$0x17B10];
	[tilespmem:s26+$0xB320] =	vst v5;
	v3 =	vadd.f32 v3, v8  }
0x6e: {  	v5 =	vld [tilespmem:s29+$0x17B20];
	[tilespmem:s26+$0xB330] =	vst v4;
	v2 =	vadd.f32 v2, v6  }
0x6f: {  	v4 =	vld [tilespmem:s29+$0x17B30];
	[tilespmem:s26+$0xB340] =	vst v3;
	v1 =	vadd.f32 v1, v7  }
0x70: {  	v3 =	vld [tilespmem:s29+$0x17B40];
	[tilespmem:s26+$0xB350] =	vst v2;
	v0 =	vadd.f32 v0, v10  }
0x71: {  	v2 =	vld [tilespmem:s29+$0x17B50];
	[tilespmem:s26+$0xB360] =	vst v1  }
0x72: {  	v1 =	vld [tilespmem:s29+$0x17B60];
	[tilespmem:s26+$0xB370] =	vst v0;
	s26 =	smov.u32 s29  }
0x73: {  	v0 =	vld [tilespmem:s26+$0x17B70]  }
0x74: {  	v6 =	vld [tilespmem:s26+$0xB300]  }
0x75: {  	v7 =	vld [tilespmem:s26+$0xB310]  }
.Ltmp1:
0x76: {  	v10 =	vld [tilespmem:s26+$0xB320];
	(pc) =	sbr.rel @p0 .LBB2_5-.Ltmp1, $4  }
0x77: {  	v9 =	vld [tilespmem:s26+$0xB330]  }
0x78: {  	v8 =	vld [tilespmem:s26+$0xB340]  }
0x79: {  	v12 =	vadd.f32 v12, v6;
	v6 =	vld [tilespmem:s26+$0xB350]  }
0x7a: {  	s28 =	sadd.s32 $0x200, s28;
	v11 =	vadd.f32 v11, v7;
	v7 =	vld [tilespmem:s26+$0xB360]  }
0x7b: {  	[tilespmem:s26+$0xB300] =	vst v12;
	v5 =	vadd.f32 v5, v10;
	v63 =	vld [tilespmem:s26+$0xB370]  }
0x7c: {  	[tilespmem:s26+$0xB310] =	vst v11;
	v4 =	vadd.f32 v4, v9  }
0x7d: {  	s24 =	sadd.s32 $0x1, s24;
	[tilespmem:s26+$0xB320] =	vst v5;
	v3 =	vadd.f32 v3, v8  }
0x7e: {  	p0 =	sne.s32 s24, $0x19;
	[tilespmem:s26+$0xB330] =	vst v4;
	v2 =	vadd.f32 v2, v6  }
.Ltmp2:
0x7f: {  	[tilespmem:s26+$0xB340] =	vst v3;
	v1 =	vadd.f32 v1, v7;
	(pc) =	sbr.rel @p0 .LBB2_2-.Ltmp2, $4  }
0x80: {  	s25 =	sadd.s32 s4, s25;
	[tilespmem:s26+$0xB350] =	vst v2;
	v0 =	vadd.f32 v0, v63  }
0x81: {  	s25 =	sshll.u32 s25, $0x4;
	[tilespmem:s26+$0xB360] =	vst v1  }
0x82: {  	s25 =	sadd.s32 s6, s25;
	[tilespmem:s26+$0xB370] =	vst v0  }
0x83: {  	[hbm4b:s25+s3] =	stream.linear.scatter [tilespmem:s15], [sflag:$0x6], $0x6400, $0x38;
	[tilespmem:$0x1DF00] =	vst v63  }
0x84: {  	s23 =	sadd.s32 $0x1, s23  }
0x85: {  	_ =	swait.ge [sflag:s21], $0x6400;
	p0 =	sne.s32 s23, s9  }
.Ltmp3:
0x86: {  	[sflag:s21] =	ssyncset.done $0x0;
	(pc) =	sbr.rel @p0 .LBB2_1-.Ltmp3, $4  }
0x87: {  	[sflag:s21] =	ssyncadd.s32 $0xFFFF9C00  }
0x88: {  	_ =	swait.ge [sflag:s22], $0x6400  }
0x89: {  	[sflag:s22] =	ssyncset.done $0x0  }
0x8a: {  	[sflag:s22] =	ssyncadd.s32 $0xFFFF9C00  }
0x8b: {  	_ =	sfence.sel $0x180000  }
0x8c: {  	[bflag:$0x0] =	sbarrier.arrive $0xFFFF  }
0x8d: {  	p0 =	sne.s32 s0, $0x0;
	_ =	strace $0x90000047  }
0x8e: {  	s0 =	sadd.s32 @!p0 $0x100000, s1;
	[bflag:$0x2] =	sbarrier.arrive $0xFFFF  }
0x8f: {  	[sflag:s0] =	ssyncadd.tile.s32 @!p0 $0x1;
	_ =	shalt  }
.Lfunc_end2:
_tile_overlayer_lowered:
.L_overlay_start_2:
0x90: {  	(tag) =	ssettag $0x2  }
0x91: {  	s0 =	rddreg [dreg:$0x0];
	s2 =	stileid.u32  }
0x92: {  	s1 =	rddreg [dreg:$0x1];
	p0 =	sne.s32 s2, $0x0  }
0x93: {  	s3 =	rddreg [dreg:$0x2];
	[bflag:$0x3] =	sbarrier.arrive $0xFFFF;
	s2 =	simm.s32 @!p0 $0x1C07  }
0x94: {  	[timem:s3], [sflag:s2] =	dma.local @!p0 [hbm:s0], s1  }
0x95: {  	s0 =	simm.s32 @!p0 $0x7  }
0x96: {  	_ =	swait.ge @!p0 [sflag:s0], s1  }
0x97: {  	s1 =	ssub.s32 @!p0 $0x0, s1;
	[sflag:s0] =	ssyncset.done @!p0 $0x0  }
0x98: {  	[sflag:s0] =	ssyncadd.s32 @!p0 s1  }
0x99: {  	[bflag:$0x3] =	sbarrier.arrive $0xFFFF  }
0x9a: {  	_ =	shalt  }

</sc_bundles>
